<compile_context>
chip_gen: v7x
topology: tpu7x:2x2x1
jax: 0.10.2.dev20260603
libtpu: 0.0.44.dev20260713+nightly
codegen_flags: <defaults>
</compile_context>

<pallas_src>
import functools

import jax
import jax.numpy as jnp
from jax import lax
from jax.experimental import pallas as pl
from jax.experimental.pallas import tpu as pltpu
from jax.experimental.pallas import tpu_sc as plsc

V = 100000
H = 768
DK = 64

NW = 32


def _sc_gather_both(ids3, pids3, word_emb, ppair):
    nw, nch, ch = ids3.shape
    _, nchp, chp = pids3.shape
    nt = nw * nch * ch
    tpw = nch * ch
    dp = ppair.shape[1]

    mesh = plsc.VectorSubcoreMesh(core_axis_name="c", subcore_axis_name="s")

    @functools.partial(
        pl.kernel,
        mesh=mesh,
        out_type=(
            jax.ShapeDtypeStruct((nt, H), jnp.float32),
            jax.ShapeDtypeStruct((nt, dp), jnp.float32),
        ),
        scratch_types=[
            pltpu.VMEM((nch, ch), jnp.int32),
            pltpu.VMEM((nchp, chp), jnp.int32),
            pltpu.VMEM((ch, H), jnp.float32),
            pltpu.VMEM((ch, H), jnp.float32),
            pltpu.VMEM((tpw, dp), jnp.float32),
            pltpu.SemaphoreType.DMA,
            pltpu.SemaphoreType.DMA,
            pltpu.SemaphoreType.DMA,
        ],
    )
    def gather_kernel(ids_hbm, pids_hbm, wtab_hbm, ptab_hbm, oute_hbm, outp_hbm,
                      idx_v, pidx_v, buf0, buf1, pbuf, sem0, sem1, semp):
        wid = lax.axis_index("s") * 2 + lax.axis_index("c")
        base = wid * tpw
        pltpu.sync_copy(ids_hbm.at[wid], idx_v)
        pltpu.sync_copy(pids_hbm.at[wid], pidx_v)
        pcopies = []
        for j in range(nchp):
            pcopies.append(pltpu.async_copy(
                ptab_hbm.at[pidx_v.at[j]], pbuf.at[pl.ds(j * chp, chp)], semp))
        bufs = (buf0, buf1)
        sems = (sem0, sem1)
        copies = [None, None]
        copies[0] = pltpu.async_copy(wtab_hbm.at[idx_v.at[0]], buf0, sem0)
        for j in range(nch):
            if j + 1 < nch:
                copies[(j + 1) % 2] = pltpu.async_copy(
                    wtab_hbm.at[idx_v.at[j + 1]], bufs[(j + 1) % 2], sems[(j + 1) % 2])
            copies[j % 2].wait()
            pltpu.sync_copy(bufs[j % 2], oute_hbm.at[pl.ds(base + j * ch, ch)])
        for c in pcopies:
            c.wait()
        pltpu.sync_copy(pbuf, outp_hbm.at[pl.ds(base, tpw)])

    return gather_kernel(ids3, pids3, word_emb, ppair)


OFFP = 51200
PBLK = 2048


def _pair_body(ptA_ref, ptB_ref, out_ref):
    both = jnp.concatenate([ptA_ref[...], ptB_ref[...]], axis=0)
    out_ref[...] = both.T


def _build_pairs(pt):
    grid = OFFP // PBLK
    return pl.pallas_call(
        _pair_body,
        grid=(grid,),
        in_specs=[
            pl.BlockSpec((DK, PBLK), lambda i: (0, i)),
            pl.BlockSpec((DK, PBLK),
                         lambda i: (0, jnp.minimum(grid + i, 2 * grid - 2))),
        ],
        out_specs=pl.BlockSpec((PBLK, 2 * DK), lambda i: (i, 0)),
        out_shape=jax.ShapeDtypeStruct((OFFP, 2 * DK), jnp.float32),
        compiler_params=pltpu.CompilerParams(
            dimension_semantics=("arbitrary",),
        ),
    )(pt, pt)


def _tc_body(vals_ref, half_ref, e_ref, p_ref, pos_ref, tt_ref, promw_ref,
             promb_ref, fcw0_ref, fcw1_ref, fcw2_ref, fcb_ref, ln1g_ref,
             ln1b_ref, projw_ref, projb_ref, ln2g_ref, ln2b_ref, out_ref):
    e = e_ref[...]
    p2 = p_ref[...]
    half = half_ref[0, 0, :][:, None]
    p_lo = p2[:, :DK]
    p_hi = p2[:, DK:]
    p = jnp.where(half > 0.5, p_hi, p_lo)
    b16 = lambda x: x.astype(jnp.bfloat16)
    pe = jnp.dot(b16(p), b16(promw_ref[...]), preferred_element_type=jnp.float32)
    pe = pe + promb_ref[...]
    h = jnp.dot(b16(e), b16(fcw0_ref[...]), preferred_element_type=jnp.float32)
    h = h + jnp.dot(b16(pe), b16(fcw1_ref[...]), preferred_element_type=jnp.float32)
    vals = vals_ref[0, 0, :]
    h = h + vals[:, None] * fcw2_ref[...]
    h = h + fcb_ref[...]
    m = jnp.mean(h, axis=-1, keepdims=True)
    c = h - m
    var = jnp.mean(c * c, axis=-1, keepdims=True)
    h = c * lax.rsqrt(var + 1e-12) * ln1g_ref[...] + ln1b_ref[...]
    h = h * jax.nn.sigmoid(1.702 * h)
    o = jnp.dot(b16(h), b16(projw_ref[...]), preferred_element_type=jnp.float32)
    o = o + projb_ref[...] + tt_ref[0:1, :] + pos_ref[...]
    m2 = jnp.mean(o, axis=-1, keepdims=True)
    c2 = o - m2
    var2 = jnp.mean(c2 * c2, axis=-1, keepdims=True)
    out_ref[...] = c2 * lax.rsqrt(var2 + 1e-12) * ln2g_ref[...] + ln2b_ref[...]


def _tc_dense(vals3, half3, e, p2, pos_emb, tt_emb, prom_w, prom_b, fc_w0,
              fc_w1, fc_w2, fc_b, ln1_g, ln1_b, proj_w, proj_b, ln2_g, ln2_b,
              tb, seq, interpret=False):
    nt = e.shape[0]
    grid = nt // tb
    pos_blocks = seq // tb if seq >= tb else 1

    full = lambda shape: pl.BlockSpec(shape, lambda i: (0, 0))
    return pl.pallas_call(
        _tc_body,
        grid=(grid,),
        in_specs=[
            pl.BlockSpec((1, 1, tb), lambda i: (i, 0, 0)),
            pl.BlockSpec((1, 1, tb), lambda i: (i, 0, 0)),
            pl.BlockSpec((tb, H), lambda i: (i, 0)),
            pl.BlockSpec((tb, 2 * DK), lambda i: (i, 0)),
            pl.BlockSpec((tb, H), lambda i: (i % pos_blocks, 0)),
            full(tt_emb.shape),
            full((DK, H)),
            full((1, H)),
            full((H, H)),
            full((H, H)),
            full((1, H)),
            full((1, H)),
            full((1, H)),
            full((1, H)),
            full((H, H)),
            full((1, H)),
            full((1, H)),
            full((1, H)),
        ],
        out_specs=pl.BlockSpec((tb, H), lambda i: (i, 0)),
        out_shape=jax.ShapeDtypeStruct((nt, H), jnp.float32),
        compiler_params=pltpu.CompilerParams(
            dimension_semantics=("arbitrary",),
        ),
        interpret=interpret,
    )(vals3, half3, e, p2, pos_emb, tt_emb, prom_w, prom_b, fc_w0, fc_w1,
      fc_w2, fc_b, ln1_g, ln1_b, proj_w, proj_b, ln2_g, ln2_b)


def kernel(input_ids, values, word_emb, pos_emb, tt_emb, promoter_knowledge,
           prom_w, prom_b, fc_w, fc_b, ln1_g, ln1_b, proj_w, proj_b,
           ln2_g, ln2_b):
    b, s = input_ids.shape
    nt = b * s
    ids = input_ids.reshape(-1).astype(jnp.int32)
    ch = 32
    nch = nt // (NW * ch)
    ids3 = ids.reshape(NW, nch, ch)
    chp = 64
    nchp = nt // (NW * chp)
    pslot3 = jnp.where(ids < OFFP, ids, ids - OFFP).reshape(NW, nchp, chp)

    ppair = _build_pairs(promoter_knowledge.T)
    e, p2 = _sc_gather_both(ids3, pslot3, word_emb, ppair)

    tb = 1024
    vals3 = values.reshape(nt // tb, 1, tb)
    half3 = (ids >= OFFP).astype(jnp.float32).reshape(nt // tb, 1, tb)
    row = lambda v: v.reshape(1, H)
    out = _tc_dense(
        vals3, half3, e, p2, pos_emb, tt_emb, prom_w, row(prom_b),
        fc_w[:H], fc_w[H:2 * H], fc_w[2 * H:2 * H + 1], row(fc_b),
        row(ln1_g), row(ln1_b), proj_w, row(proj_b), row(ln2_g), row(ln2_b),
        tb, s)
    return out.reshape(b, s, H)

# --- scband reference (transcript-rebuilt; emitter-appended) ---
"""Pipeline reference for scband-knowledge-bert-embeddings-58531814310269 (READ-ONLY COPY).

The authoritative reference and input builder live on the scoring server;
editing this copy changes nothing except your own understanding.
"""

import jax, jax.numpy as jnp
import numpy as np

V = 100000   # vocab_size
H = 768      # hidden_size
B = 4        # batch
S = 2048     # seq_len
DK = 64      # promoter knowledge feature dim
TT = 2       # type_vocab_size
MP = 2048    # max_position_embeddings


def _ln(x, g, b, eps=1e-12):
    m = jnp.mean(x, axis=-1, keepdims=True)
    v = jnp.var(x, axis=-1, keepdims=True)
    return (x - m) / jnp.sqrt(v + eps) * g + b


def _qgelu(x):
    return x * jax.nn.sigmoid(1.702 * x)


def setup_inputs(seed: int = 0) -> dict:
    key = jax.random.key(seed)
    ks = jax.random.split(key, 12)
    s = 0.02
    return {
        "input_ids": jax.random.randint(ks[0], (B, S), 0, V),
        "values": jax.random.uniform(ks[1], (B, S), dtype=jnp.float32),
        "word_emb": jax.random.normal(ks[2], (V, H), dtype=jnp.float32) * s,
        "pos_emb": jax.random.normal(ks[3], (MP, H), dtype=jnp.float32) * s,
        "tt_emb": jax.random.normal(ks[4], (TT, H), dtype=jnp.float32) * s,
        "promoter_knowledge": jax.random.normal(ks[5], (V, DK), dtype=jnp.float32),
        "prom_w": jax.random.normal(ks[6], (DK, H), dtype=jnp.float32) * s,
        "prom_b": jnp.zeros((H,), jnp.float32),
        "fc_w": jax.random.normal(ks[7], (2 * H + 1, H), dtype=jnp.float32) * s,
        "fc_b": jnp.zeros((H,), jnp.float32),
        "ln1_g": jnp.ones((H,), jnp.float32),
        "ln1_b": jnp.zeros((H,), jnp.float32),
        "proj_w": jax.random.normal(ks[8], (H, H), dtype=jnp.float32) * s,
        "proj_b": jnp.zeros((H,), jnp.float32),
        "ln2_g": jnp.ones((H,), jnp.float32),
        "ln2_b": jnp.zeros((H,), jnp.float32),
    }


def reference(input_ids, values, word_emb, pos_emb, tt_emb, promoter_knowledge,
              prom_w, prom_b, fc_w, fc_b, ln1_g, ln1_b, proj_w, proj_b,
              ln2_g, ln2_b):
    # word embedding lookup (SparseCore gather)
    inputs_embeds = jnp.take(word_emb, input_ids, axis=0)            # [B,S,H]
    # promoter prior knowledge lookup + linear projection (PriorEmbedding)
    pk = jnp.take(promoter_knowledge, input_ids, axis=0)             # [B,S,DK]
    prom_e = pk @ prom_w + prom_b                                    # [B,S,H]
    # use_values=True, use_value_emb=False -> raw value scalar concatenated
    x = jnp.concatenate([inputs_embeds, prom_e, values[..., None]], axis=-1)
    # concat_embeddings: Linear -> LayerNorm -> QuickGELU -> Linear
    h = x @ fc_w + fc_b
    h = _ln(h, ln1_g, ln1_b)
    h = _qgelu(h)
    h = h @ proj_w + proj_b
    # add position + token_type embeddings
    seq = input_ids.shape[1]
    pos_ids = jnp.arange(seq)
    tt = jnp.take(tt_emb, jnp.zeros_like(input_ids), axis=0)
    emb = h + tt + jnp.take(pos_emb, pos_ids, axis=0)[None, :, :]
    # final LayerNorm (dropout is identity in eval)
    return _ln(emb, ln2_g, ln2_b)

if __name__ == "__main__":
    import jax
    _d = setup_inputs()
    print(jax.jit(kernel)(*tuple(_d.values())))

</pallas_src>

<mosaic_0001>
#map = affine_map<(d0, d1) -> (0, 0, 0)>
#map1 = affine_map<(d0, d1) -> (0, 0)>
module attributes {stable_mosaic.version = 14 : i64} {
  func.func @gather_kernel(%arg0: i32, %arg1: i32, %arg2: memref<32x8x32xi32, #tpu.memory_space<hbm>>, %arg3: memref<32x4x64xi32, #tpu.memory_space<hbm>>, %arg4: memref<100000x768xf32, #tpu.memory_space<hbm>>, %arg5: memref<51200x128xf32, #tpu.memory_space<hbm>>, %arg6: memref<8192x768xf32, #tpu.memory_space<hbm>>, %arg7: memref<8192x128xf32, #tpu.memory_space<hbm>>, %arg8: memref<8x32xi32, #tpu.memory_space<vmem>>, %arg9: memref<4x64xi32, #tpu.memory_space<vmem>>, %arg10: memref<32x768xf32, #tpu.memory_space<vmem>>, %arg11: memref<32x768xf32, #tpu.memory_space<vmem>>, %arg12: memref<256x128xf32, #tpu.memory_space<vmem>>, %arg13: memref<!tpu.dma_semaphore, #tpu.memory_space<semaphore_mem>>, %arg14: memref<!tpu.dma_semaphore, #tpu.memory_space<semaphore_mem>>, %arg15: memref<!tpu.dma_semaphore, #tpu.memory_space<semaphore_mem>>) attributes {dimension_semantics = [#tpu.dimension_semantics<core_parallel>, #tpu.dimension_semantics<subcore_parallel>], iteration_bounds = array<i64: 2, 16>, scalar_prefetch = 0 : i64, scratch_operands = 8 : i64, tpu.core_type = #tpu.core_type<sc_vector_subcore>, window_params = [{transform_indices = #map}, {transform_indices = #map}, {transform_indices = #map1}, {transform_indices = #map1}, {transform_indices = #map1}, {transform_indices = #map1}]} {
    %mul3A = arith.constant 2 : i32
    %mul3A_0 = arith.muli %arg1, %mul3A : i32
    %add3A = arith.addi %mul3A_0, %arg0 : i32
    %mul3A_1 = arith.constant 256 : i32
    %mul3A_2 = arith.muli %add3A, %mul3A_1 : i32
    "tpu.region"() ({
      %run_scoped3A = tpu.sem_alloc : memref<!tpu.dma_semaphore, #tpu.memory_space<semaphore_mem>>
      %dma_start3A_209 = arith.constant 0 : i32
      %dma_start3A_210 = arith.constant 0 : i32
      %dma_start3A_211 = tpu.memref_slice %arg2[%add3A, %dma_start3A_209, %dma_start3A_210] : memref<32x8x32xi32, #tpu.memory_space<hbm>> -> memref<1x8x32xi32, #tpu.memory_space<hbm>>
      %dma_start3A_212 = tpu.memref_squeeze %dma_start3A_211 : memref<1x8x32xi32, #tpu.memory_space<hbm>> -> memref<8x32xi32, #tpu.memory_space<hbm>>
      %dma_start3A_213 = arith.constant 0 : i32
      %dma_start3A_214 = arith.constant 0 : i32
      %dma_start3A_215 = tpu.memref_slice %arg2[%add3A, %dma_start3A_213, %dma_start3A_214] : memref<32x8x32xi32, #tpu.memory_space<hbm>> -> memref<1x8x32xi32, #tpu.memory_space<hbm>>
      %dma_start3A_216 = tpu.memref_squeeze %dma_start3A_215 : memref<1x8x32xi32, #tpu.memory_space<hbm>> -> memref<8x32xi32, #tpu.memory_space<hbm>>
      tpu.enqueue_dma source(%dma_start3A_216 : memref<8x32xi32, #tpu.memory_space<hbm>>) target(%arg8 : memref<8x32xi32, #tpu.memory_space<vmem>>) target_semaphore(%run_scoped3A : memref<!tpu.dma_semaphore, #tpu.memory_space<semaphore_mem>>)
      %dma_wait3A_217 = arith.constant 0 : i32
      %dma_wait3A_218 = arith.constant 0 : i32
      %dma_wait3A_219 = tpu.memref_slice %arg2[%add3A, %dma_wait3A_217, %dma_wait3A_218] : memref<32x8x32xi32, #tpu.memory_space<hbm>> -> memref<1x8x32xi32, #tpu.memory_space<hbm>>
      %dma_wait3A_220 = tpu.memref_squeeze %dma_wait3A_219 : memref<1x8x32xi32, #tpu.memory_space<hbm>> -> memref<8x32xi32, #tpu.memory_space<hbm>>
      %dma_wait3A_221 = arith.constant 0 : i32
      %dma_wait3A_222 = arith.constant 0 : i32
      %dma_wait3A_223 = tpu.memref_slice %arg2[%add3A, %dma_wait3A_221, %dma_wait3A_222] : memref<32x8x32xi32, #tpu.memory_space<hbm>> -> memref<1x8x32xi32, #tpu.memory_space<hbm>>
      %dma_wait3A_224 = tpu.memref_squeeze %dma_wait3A_223 : memref<1x8x32xi32, #tpu.memory_space<hbm>> -> memref<8x32xi32, #tpu.memory_space<hbm>>
      tpu.wait_dma2 semaphore(%run_scoped3A : memref<!tpu.dma_semaphore, #tpu.memory_space<semaphore_mem>>) src(%dma_wait3A_224 : memref<8x32xi32, #tpu.memory_space<hbm>>) dst(%arg8 : memref<8x32xi32, #tpu.memory_space<vmem>>)
      tpu.yield
    }) : () -> ()
    "tpu.region"() ({
      %run_scoped3A = tpu.sem_alloc : memref<!tpu.dma_semaphore, #tpu.memory_space<semaphore_mem>>
      %dma_start3A_209 = arith.constant 0 : i32
      %dma_start3A_210 = arith.constant 0 : i32
      %dma_start3A_211 = tpu.memref_slice %arg3[%add3A, %dma_start3A_209, %dma_start3A_210] : memref<32x4x64xi32, #tpu.memory_space<hbm>> -> memref<1x4x64xi32, #tpu.memory_space<hbm>>
      %dma_start3A_212 = tpu.memref_squeeze %dma_start3A_211 : memref<1x4x64xi32, #tpu.memory_space<hbm>> -> memref<4x64xi32, #tpu.memory_space<hbm>>
      %dma_start3A_213 = arith.constant 0 : i32
      %dma_start3A_214 = arith.constant 0 : i32
      %dma_start3A_215 = tpu.memref_slice %arg3[%add3A, %dma_start3A_213, %dma_start3A_214] : memref<32x4x64xi32, #tpu.memory_space<hbm>> -> memref<1x4x64xi32, #tpu.memory_space<hbm>>
      %dma_start3A_216 = tpu.memref_squeeze %dma_start3A_215 : memref<1x4x64xi32, #tpu.memory_space<hbm>> -> memref<4x64xi32, #tpu.memory_space<hbm>>
      tpu.enqueue_dma source(%dma_start3A_216 : memref<4x64xi32, #tpu.memory_space<hbm>>) target(%arg9 : memref<4x64xi32, #tpu.memory_space<vmem>>) target_semaphore(%run_scoped3A : memref<!tpu.dma_semaphore, #tpu.memory_space<semaphore_mem>>)
      %dma_wait3A_217 = arith.constant 0 : i32
      %dma_wait3A_218 = arith.constant 0 : i32
      %dma_wait3A_219 = tpu.memref_slice %arg3[%add3A, %dma_wait3A_217, %dma_wait3A_218] : memref<32x4x64xi32, #tpu.memory_space<hbm>> -> memref<1x4x64xi32, #tpu.memory_space<hbm>>
      %dma_wait3A_220 = tpu.memref_squeeze %dma_wait3A_219 : memref<1x4x64xi32, #tpu.memory_space<hbm>> -> memref<4x64xi32, #tpu.memory_space<hbm>>
      %dma_wait3A_221 = arith.constant 0 : i32
      %dma_wait3A_222 = arith.constant 0 : i32
      %dma_wait3A_223 = tpu.memref_slice %arg3[%add3A, %dma_wait3A_221, %dma_wait3A_222] : memref<32x4x64xi32, #tpu.memory_space<hbm>> -> memref<1x4x64xi32, #tpu.memory_space<hbm>>
      %dma_wait3A_224 = tpu.memref_squeeze %dma_wait3A_223 : memref<1x4x64xi32, #tpu.memory_space<hbm>> -> memref<4x64xi32, #tpu.memory_space<hbm>>
      tpu.wait_dma2 semaphore(%run_scoped3A : memref<!tpu.dma_semaphore, #tpu.memory_space<semaphore_mem>>) src(%dma_wait3A_224 : memref<4x64xi32, #tpu.memory_space<hbm>>) dst(%arg9 : memref<4x64xi32, #tpu.memory_space<vmem>>)
      tpu.yield
    }) : () -> ()
    %dma_start3A = arith.constant 0 : i32
    %dma_start3A_3 = arith.constant 0 : i32
    %dma_start3A_4 = arith.constant 0 : i32
    %dma_start3A_5 = tpu.memref_slice %arg12[%dma_start3A_3, %dma_start3A_4] : memref<256x128xf32, #tpu.memory_space<vmem>> -> memref<64x128xf32, #tpu.memory_space<vmem>>
    %dma_start3A_6 = arith.constant 0 : i32
    %dma_start3A_7 = tpu.memref_slice %arg9[%dma_start3A, %dma_start3A_6] : memref<4x64xi32, #tpu.memory_space<vmem>> -> memref<1x64xi32, #tpu.memory_space<vmem>>
    %dma_start3A_8 = tpu.memref_squeeze %dma_start3A_7 : memref<1x64xi32, #tpu.memory_space<vmem>> -> memref<64xi32, #tpu.memory_space<vmem>>
    %dma_start3A_9 = arith.constant 0 : i32
    %dma_start3A_10 = arith.constant 0 : i32
    %dma_start3A_11 = tpu.memref_slice %arg5[%dma_start3A_9, %dma_start3A_10] : memref<51200x128xf32, #tpu.memory_space<hbm>> -> memref<51200x128xf32, #tpu.memory_space<hbm>>
    tpu.enqueue_indirect_dma source(%dma_start3A_11 : memref<51200x128xf32, #tpu.memory_space<hbm>>) target(%dma_start3A_5 : memref<64x128xf32, #tpu.memory_space<vmem>>) offsets(%dma_start3A_8 : memref<64xi32, #tpu.memory_space<vmem>>) semaphore(%arg15 : memref<!tpu.dma_semaphore, #tpu.memory_space<semaphore_mem>>)
    %dma_start3A_12 = arith.constant 1 : i32
    %dma_start3A_13 = arith.constant 64 : i32
    %dma_start3A_14 = arith.constant 0 : i32
    %dma_start3A_15 = tpu.memref_slice %arg12[%dma_start3A_13, %dma_start3A_14] : memref<256x128xf32, #tpu.memory_space<vmem>> -> memref<64x128xf32, #tpu.memory_space<vmem>>
    %dma_start3A_16 = arith.constant 0 : i32
    %dma_start3A_17 = tpu.memref_slice %arg9[%dma_start3A_12, %dma_start3A_16] : memref<4x64xi32, #tpu.memory_space<vmem>> -> memref<1x64xi32, #tpu.memory_space<vmem>>
    %dma_start3A_18 = tpu.memref_squeeze %dma_start3A_17 : memref<1x64xi32, #tpu.memory_space<vmem>> -> memref<64xi32, #tpu.memory_space<vmem>>
    %dma_start3A_19 = arith.constant 0 : i32
    %dma_start3A_20 = arith.constant 0 : i32
    %dma_start3A_21 = tpu.memref_slice %arg5[%dma_start3A_19, %dma_start3A_20] : memref<51200x128xf32, #tpu.memory_space<hbm>> -> memref<51200x128xf32, #tpu.memory_space<hbm>>
    tpu.enqueue_indirect_dma source(%dma_start3A_21 : memref<51200x128xf32, #tpu.memory_space<hbm>>) target(%dma_start3A_15 : memref<64x128xf32, #tpu.memory_space<vmem>>) offsets(%dma_start3A_18 : memref<64xi32, #tpu.memory_space<vmem>>) semaphore(%arg15 : memref<!tpu.dma_semaphore, #tpu.memory_space<semaphore_mem>>)
    %dma_start3A_22 = arith.constant 2 : i32
    %dma_start3A_23 = arith.constant 128 : i32
    %dma_start3A_24 = arith.constant 0 : i32
    %dma_start3A_25 = tpu.memref_slice %arg12[%dma_start3A_23, %dma_start3A_24] : memref<256x128xf32, #tpu.memory_space<vmem>> -> memref<64x128xf32, #tpu.memory_space<vmem>>
    %dma_start3A_26 = arith.constant 0 : i32
    %dma_start3A_27 = tpu.memref_slice %arg9[%dma_start3A_22, %dma_start3A_26] : memref<4x64xi32, #tpu.memory_space<vmem>> -> memref<1x64xi32, #tpu.memory_space<vmem>>
    %dma_start3A_28 = tpu.memref_squeeze %dma_start3A_27 : memref<1x64xi32, #tpu.memory_space<vmem>> -> memref<64xi32, #tpu.memory_space<vmem>>
    %dma_start3A_29 = arith.constant 0 : i32
    %dma_start3A_30 = arith.constant 0 : i32
    %dma_start3A_31 = tpu.memref_slice %arg5[%dma_start3A_29, %dma_start3A_30] : memref<51200x128xf32, #tpu.memory_space<hbm>> -> memref<51200x128xf32, #tpu.memory_space<hbm>>
    tpu.enqueue_indirect_dma source(%dma_start3A_31 : memref<51200x128xf32, #tpu.memory_space<hbm>>) target(%dma_start3A_25 : memref<64x128xf32, #tpu.memory_space<vmem>>) offsets(%dma_start3A_28 : memref<64xi32, #tpu.memory_space<vmem>>) semaphore(%arg15 : memref<!tpu.dma_semaphore, #tpu.memory_space<semaphore_mem>>)
    %dma_start3A_32 = arith.constant 3 : i32
    %dma_start3A_33 = arith.constant 192 : i32
    %dma_start3A_34 = arith.constant 0 : i32
    %dma_start3A_35 = tpu.memref_slice %arg12[%dma_start3A_33, %dma_start3A_34] : memref<256x128xf32, #tpu.memory_space<vmem>> -> memref<64x128xf32, #tpu.memory_space<vmem>>
    %dma_start3A_36 = arith.constant 0 : i32
    %dma_start3A_37 = tpu.memref_slice %arg9[%dma_start3A_32, %dma_start3A_36] : memref<4x64xi32, #tpu.memory_space<vmem>> -> memref<1x64xi32, #tpu.memory_space<vmem>>
    %dma_start3A_38 = tpu.memref_squeeze %dma_start3A_37 : memref<1x64xi32, #tpu.memory_space<vmem>> -> memref<64xi32, #tpu.memory_space<vmem>>
    %dma_start3A_39 = arith.constant 0 : i32
    %dma_start3A_40 = arith.constant 0 : i32
    %dma_start3A_41 = tpu.memref_slice %arg5[%dma_start3A_39, %dma_start3A_40] : memref<51200x128xf32, #tpu.memory_space<hbm>> -> memref<51200x128xf32, #tpu.memory_space<hbm>>
    tpu.enqueue_indirect_dma source(%dma_start3A_41 : memref<51200x128xf32, #tpu.memory_space<hbm>>) target(%dma_start3A_35 : memref<64x128xf32, #tpu.memory_space<vmem>>) offsets(%dma_start3A_38 : memref<64xi32, #tpu.memory_space<vmem>>) semaphore(%arg15 : memref<!tpu.dma_semaphore, #tpu.memory_space<semaphore_mem>>)
    %dma_start3A_42 = arith.constant 0 : i32
    %dma_start3A_43 = arith.constant 0 : i32
    %dma_start3A_44 = tpu.memref_slice %arg8[%dma_start3A_42, %dma_start3A_43] : memref<8x32xi32, #tpu.memory_space<vmem>> -> memref<1x32xi32, #tpu.memory_space<vmem>>
    %dma_start3A_45 = tpu.memref_squeeze %dma_start3A_44 : memref<1x32xi32, #tpu.memory_space<vmem>> -> memref<32xi32, #tpu.memory_space<vmem>>
    %dma_start3A_46 = arith.constant 0 : i32
    %dma_start3A_47 = arith.constant 0 : i32
    %dma_start3A_48 = tpu.memref_slice %arg4[%dma_start3A_46, %dma_start3A_47] : memref<100000x768xf32, #tpu.memory_space<hbm>> -> memref<100000x768xf32, #tpu.memory_space<hbm>>
    tpu.enqueue_indirect_dma source(%dma_start3A_48 : memref<100000x768xf32, #tpu.memory_space<hbm>>) target(%arg10 : memref<32x768xf32, #tpu.memory_space<vmem>>) offsets(%dma_start3A_45 : memref<32xi32, #tpu.memory_space<vmem>>) semaphore(%arg13 : memref<!tpu.dma_semaphore, #tpu.memory_space<semaphore_mem>>)
    %dma_start3A_49 = arith.constant 1 : i32
    %dma_start3A_50 = arith.constant 0 : i32
    %dma_start3A_51 = tpu.memref_slice %arg8[%dma_start3A_49, %dma_start3A_50] : memref<8x32xi32, #tpu.memory_space<vmem>> -> memref<1x32xi32, #tpu.memory_space<vmem>>
    %dma_start3A_52 = tpu.memref_squeeze %dma_start3A_51 : memref<1x32xi32, #tpu.memory_space<vmem>> -> memref<32xi32, #tpu.memory_space<vmem>>
    %dma_start3A_53 = arith.constant 0 : i32
    %dma_start3A_54 = arith.constant 0 : i32
    %dma_start3A_55 = tpu.memref_slice %arg4[%dma_start3A_53, %dma_start3A_54] : memref<100000x768xf32, #tpu.memory_space<hbm>> -> memref<100000x768xf32, #tpu.memory_space<hbm>>
    tpu.enqueue_indirect_dma source(%dma_start3A_55 : memref<100000x768xf32, #tpu.memory_space<hbm>>) target(%arg11 : memref<32x768xf32, #tpu.memory_space<vmem>>) offsets(%dma_start3A_52 : memref<32xi32, #tpu.memory_space<vmem>>) semaphore(%arg14 : memref<!tpu.dma_semaphore, #tpu.memory_space<semaphore_mem>>)
    %dma_wait3A = arith.constant 0 : i32
    %dma_wait3A_56 = arith.constant 0 : i32
    %dma_wait3A_57 = tpu.memref_slice %arg8[%dma_wait3A, %dma_wait3A_56] : memref<8x32xi32, #tpu.memory_space<vmem>> -> memref<1x32xi32, #tpu.memory_space<vmem>>
    %dma_wait3A_58 = tpu.memref_squeeze %dma_wait3A_57 : memref<1x32xi32, #tpu.memory_space<vmem>> -> memref<32xi32, #tpu.memory_space<vmem>>
    %dma_wait3A_59 = arith.constant 0 : i32
    %dma_wait3A_60 = arith.constant 0 : i32
    %dma_wait3A_61 = tpu.memref_slice %arg4[%dma_wait3A_59, %dma_wait3A_60] : memref<100000x768xf32, #tpu.memory_space<hbm>> -> memref<100000x768xf32, #tpu.memory_space<hbm>>
    tpu.wait_indirect_dma semaphore(%arg13 : memref<!tpu.dma_semaphore, #tpu.memory_space<semaphore_mem>>) src(%dma_wait3A_61 : memref<100000x768xf32, #tpu.memory_space<hbm>>) dst(%arg10 : memref<32x768xf32, #tpu.memory_space<vmem>>)
    %add3A_62 = arith.constant 0 : i32
    %add3A_63 = arith.addi %mul3A_2, %add3A_62 : i32
    "tpu.region"() ({
      %run_scoped3A = tpu.sem_alloc : memref<!tpu.dma_semaphore, #tpu.memory_space<semaphore_mem>>
      %dma_start3A_209 = arith.constant 0 : i32
      %dma_start3A_210 = tpu.memref_slice %arg6[%add3A_63, %dma_start3A_209] : memref<8192x768xf32, #tpu.memory_space<hbm>> -> memref<32x768xf32, #tpu.memory_space<hbm>>
      %dma_start3A_211 = arith.constant 0 : i32
      %dma_start3A_212 = tpu.memref_slice %arg6[%add3A_63, %dma_start3A_211] : memref<8192x768xf32, #tpu.memory_space<hbm>> -> memref<32x768xf32, #tpu.memory_space<hbm>>
      tpu.enqueue_dma source(%arg10 : memref<32x768xf32, #tpu.memory_space<vmem>>) target(%dma_start3A_212 : memref<32x768xf32, #tpu.memory_space<hbm>>) target_semaphore(%run_scoped3A : memref<!tpu.dma_semaphore, #tpu.memory_space<semaphore_mem>>)
      %dma_wait3A_213 = arith.constant 0 : i32
      %dma_wait3A_214 = tpu.memref_slice %arg6[%add3A_63, %dma_wait3A_213] : memref<8192x768xf32, #tpu.memory_space<hbm>> -> memref<32x768xf32, #tpu.memory_space<hbm>>
      %dma_wait3A_215 = arith.constant 0 : i32
      %dma_wait3A_216 = tpu.memref_slice %arg6[%add3A_63, %dma_wait3A_215] : memref<8192x768xf32, #tpu.memory_space<hbm>> -> memref<32x768xf32, #tpu.memory_space<hbm>>
      tpu.wait_dma2 semaphore(%run_scoped3A : memref<!tpu.dma_semaphore, #tpu.memory_space<semaphore_mem>>) src(%arg10 : memref<32x768xf32, #tpu.memory_space<vmem>>) dst(%dma_wait3A_216 : memref<32x768xf32, #tpu.memory_space<hbm>>)
      tpu.yield
    }) : () -> ()
    %dma_start3A_64 = arith.constant 2 : i32
    %dma_start3A_65 = arith.constant 0 : i32
    %dma_start3A_66 = tpu.memref_slice %arg8[%dma_start3A_64, %dma_start3A_65] : memref<8x32xi32, #tpu.memory_space<vmem>> -> memref<1x32xi32, #tpu.memory_space<vmem>>
    %dma_start3A_67 = tpu.memref_squeeze %dma_start3A_66 : memref<1x32xi32, #tpu.memory_space<vmem>> -> memref<32xi32, #tpu.memory_space<vmem>>
    %dma_start3A_68 = arith.constant 0 : i32
    %dma_start3A_69 = arith.constant 0 : i32
    %dma_start3A_70 = tpu.memref_slice %arg4[%dma_start3A_68, %dma_start3A_69] : memref<100000x768xf32, #tpu.memory_space<hbm>> -> memref<100000x768xf32, #tpu.memory_space<hbm>>
    tpu.enqueue_indirect_dma source(%dma_start3A_70 : memref<100000x768xf32, #tpu.memory_space<hbm>>) target(%arg10 : memref<32x768xf32, #tpu.memory_space<vmem>>) offsets(%dma_start3A_67 : memref<32xi32, #tpu.memory_space<vmem>>) semaphore(%arg13 : memref<!tpu.dma_semaphore, #tpu.memory_space<semaphore_mem>>)
    %dma_wait3A_71 = arith.constant 1 : i32
    %dma_wait3A_72 = arith.constant 0 : i32
    %dma_wait3A_73 = tpu.memref_slice %arg8[%dma_wait3A_71, %dma_wait3A_72] : memref<8x32xi32, #tpu.memory_space<vmem>> -> memref<1x32xi32, #tpu.memory_space<vmem>>
    %dma_wait3A_74 = tpu.memref_squeeze %dma_wait3A_73 : memref<1x32xi32, #tpu.memory_space<vmem>> -> memref<32xi32, #tpu.memory_space<vmem>>
    %dma_wait3A_75 = arith.constant 0 : i32
    %dma_wait3A_76 = arith.constant 0 : i32
    %dma_wait3A_77 = tpu.memref_slice %arg4[%dma_wait3A_75, %dma_wait3A_76] : memref<100000x768xf32, #tpu.memory_space<hbm>> -> memref<100000x768xf32, #tpu.memory_space<hbm>>
    tpu.wait_indirect_dma semaphore(%arg14 : memref<!tpu.dma_semaphore, #tpu.memory_space<semaphore_mem>>) src(%dma_wait3A_77 : memref<100000x768xf32, #tpu.memory_space<hbm>>) dst(%arg11 : memref<32x768xf32, #tpu.memory_space<vmem>>)
    %add3A_78 = arith.constant 32 : i32
    %add3A_79 = arith.addi %mul3A_2, %add3A_78 : i32
    "tpu.region"() ({
      %run_scoped3A = tpu.sem_alloc : memref<!tpu.dma_semaphore, #tpu.memory_space<semaphore_mem>>
      %dma_start3A_209 = arith.constant 0 : i32
      %dma_start3A_210 = tpu.memref_slice %arg6[%add3A_79, %dma_start3A_209] : memref<8192x768xf32, #tpu.memory_space<hbm>> -> memref<32x768xf32, #tpu.memory_space<hbm>>
      %dma_start3A_211 = arith.constant 0 : i32
      %dma_start3A_212 = tpu.memref_slice %arg6[%add3A_79, %dma_start3A_211] : memref<8192x768xf32, #tpu.memory_space<hbm>> -> memref<32x768xf32, #tpu.memory_space<hbm>>
      tpu.enqueue_dma source(%arg11 : memref<32x768xf32, #tpu.memory_space<vmem>>) target(%dma_start3A_212 : memref<32x768xf32, #tpu.memory_space<hbm>>) target_semaphore(%run_scoped3A : memref<!tpu.dma_semaphore, #tpu.memory_space<semaphore_mem>>)
      %dma_wait3A_213 = arith.constant 0 : i32
      %dma_wait3A_214 = tpu.memref_slice %arg6[%add3A_79, %dma_wait3A_213] : memref<8192x768xf32, #tpu.memory_space<hbm>> -> memref<32x768xf32, #tpu.memory_space<hbm>>
      %dma_wait3A_215 = arith.constant 0 : i32
      %dma_wait3A_216 = tpu.memref_slice %arg6[%add3A_79, %dma_wait3A_215] : memref<8192x768xf32, #tpu.memory_space<hbm>> -> memref<32x768xf32, #tpu.memory_space<hbm>>
      tpu.wait_dma2 semaphore(%run_scoped3A : memref<!tpu.dma_semaphore, #tpu.memory_space<semaphore_mem>>) src(%arg11 : memref<32x768xf32, #tpu.memory_space<vmem>>) dst(%dma_wait3A_216 : memref<32x768xf32, #tpu.memory_space<hbm>>)
      tpu.yield
    }) : () -> ()
    %dma_start3A_80 = arith.constant 3 : i32
    %dma_start3A_81 = arith.constant 0 : i32
    %dma_start3A_82 = tpu.memref_slice %arg8[%dma_start3A_80, %dma_start3A_81] : memref<8x32xi32, #tpu.memory_space<vmem>> -> memref<1x32xi32, #tpu.memory_space<vmem>>
    %dma_start3A_83 = tpu.memref_squeeze %dma_start3A_82 : memref<1x32xi32, #tpu.memory_space<vmem>> -> memref<32xi32, #tpu.memory_space<vmem>>
    %dma_start3A_84 = arith.constant 0 : i32
    %dma_start3A_85 = arith.constant 0 : i32
    %dma_start3A_86 = tpu.memref_slice %arg4[%dma_start3A_84, %dma_start3A_85] : memref<100000x768xf32, #tpu.memory_space<hbm>> -> memref<100000x768xf32, #tpu.memory_space<hbm>>
    tpu.enqueue_indirect_dma source(%dma_start3A_86 : memref<100000x768xf32, #tpu.memory_space<hbm>>) target(%arg11 : memref<32x768xf32, #tpu.memory_space<vmem>>) offsets(%dma_start3A_83 : memref<32xi32, #tpu.memory_space<vmem>>) semaphore(%arg14 : memref<!tpu.dma_semaphore, #tpu.memory_space<semaphore_mem>>)
    %dma_wait3A_87 = arith.constant 2 : i32
    %dma_wait3A_88 = arith.constant 0 : i32
    %dma_wait3A_89 = tpu.memref_slice %arg8[%dma_wait3A_87, %dma_wait3A_88] : memref<8x32xi32, #tpu.memory_space<vmem>> -> memref<1x32xi32, #tpu.memory_space<vmem>>
    %dma_wait3A_90 = tpu.memref_squeeze %dma_wait3A_89 : memref<1x32xi32, #tpu.memory_space<vmem>> -> memref<32xi32, #tpu.memory_space<vmem>>
    %dma_wait3A_91 = arith.constant 0 : i32
    %dma_wait3A_92 = arith.constant 0 : i32
    %dma_wait3A_93 = tpu.memref_slice %arg4[%dma_wait3A_91, %dma_wait3A_92] : memref<100000x768xf32, #tpu.memory_space<hbm>> -> memref<100000x768xf32, #tpu.memory_space<hbm>>
    tpu.wait_indirect_dma semaphore(%arg13 : memref<!tpu.dma_semaphore, #tpu.memory_space<semaphore_mem>>) src(%dma_wait3A_93 : memref<100000x768xf32, #tpu.memory_space<hbm>>) dst(%arg10 : memref<32x768xf32, #tpu.memory_space<vmem>>)
    %add3A_94 = arith.constant 64 : i32
    %add3A_95 = arith.addi %mul3A_2, %add3A_94 : i32
    "tpu.region"() ({
      %run_scoped3A = tpu.sem_alloc : memref<!tpu.dma_semaphore, #tpu.memory_space<semaphore_mem>>
      %dma_start3A_209 = arith.constant 0 : i32
      %dma_start3A_210 = tpu.memref_slice %arg6[%add3A_95, %dma_start3A_209] : memref<8192x768xf32, #tpu.memory_space<hbm>> -> memref<32x768xf32, #tpu.memory_space<hbm>>
      %dma_start3A_211 = arith.constant 0 : i32
      %dma_start3A_212 = tpu.memref_slice %arg6[%add3A_95, %dma_start3A_211] : memref<8192x768xf32, #tpu.memory_space<hbm>> -> memref<32x768xf32, #tpu.memory_space<hbm>>
      tpu.enqueue_dma source(%arg10 : memref<32x768xf32, #tpu.memory_space<vmem>>) target(%dma_start3A_212 : memref<32x768xf32, #tpu.memory_space<hbm>>) target_semaphore(%run_scoped3A : memref<!tpu.dma_semaphore, #tpu.memory_space<semaphore_mem>>)
      %dma_wait3A_213 = arith.constant 0 : i32
      %dma_wait3A_214 = tpu.memref_slice %arg6[%add3A_95, %dma_wait3A_213] : memref<8192x768xf32, #tpu.memory_space<hbm>> -> memref<32x768xf32, #tpu.memory_space<hbm>>
      %dma_wait3A_215 = arith.constant 0 : i32
      %dma_wait3A_216 = tpu.memref_slice %arg6[%add3A_95, %dma_wait3A_215] : memref<8192x768xf32, #tpu.memory_space<hbm>> -> memref<32x768xf32, #tpu.memory_space<hbm>>
      tpu.wait_dma2 semaphore(%run_scoped3A : memref<!tpu.dma_semaphore, #tpu.memory_space<semaphore_mem>>) src(%arg10 : memref<32x768xf32, #tpu.memory_space<vmem>>) dst(%dma_wait3A_216 : memref<32x768xf32, #tpu.memory_space<hbm>>)
      tpu.yield
    }) : () -> ()
    %dma_start3A_96 = arith.constant 4 : i32
    %dma_start3A_97 = arith.constant 0 : i32
    %dma_start3A_98 = tpu.memref_slice %arg8[%dma_start3A_96, %dma_start3A_97] : memref<8x32xi32, #tpu.memory_space<vmem>> -> memref<1x32xi32, #tpu.memory_space<vmem>>
    %dma_start3A_99 = tpu.memref_squeeze %dma_start3A_98 : memref<1x32xi32, #tpu.memory_space<vmem>> -> memref<32xi32, #tpu.memory_space<vmem>>
    %dma_start3A_100 = arith.constant 0 : i32
    %dma_start3A_101 = arith.constant 0 : i32
    %dma_start3A_102 = tpu.memref_slice %arg4[%dma_start3A_100, %dma_start3A_101] : memref<100000x768xf32, #tpu.memory_space<hbm>> -> memref<100000x768xf32, #tpu.memory_space<hbm>>
    tpu.enqueue_indirect_dma source(%dma_start3A_102 : memref<100000x768xf32, #tpu.memory_space<hbm>>) target(%arg10 : memref<32x768xf32, #tpu.memory_space<vmem>>) offsets(%dma_start3A_99 : memref<32xi32, #tpu.memory_space<vmem>>) semaphore(%arg13 : memref<!tpu.dma_semaphore, #tpu.memory_space<semaphore_mem>>)
    %dma_wait3A_103 = arith.constant 3 : i32
    %dma_wait3A_104 = arith.constant 0 : i32
    %dma_wait3A_105 = tpu.memref_slice %arg8[%dma_wait3A_103, %dma_wait3A_104] : memref<8x32xi32, #tpu.memory_space<vmem>> -> memref<1x32xi32, #tpu.memory_space<vmem>>
    %dma_wait3A_106 = tpu.memref_squeeze %dma_wait3A_105 : memref<1x32xi32, #tpu.memory_space<vmem>> -> memref<32xi32, #tpu.memory_space<vmem>>
    %dma_wait3A_107 = arith.constant 0 : i32
    %dma_wait3A_108 = arith.constant 0 : i32
    %dma_wait3A_109 = tpu.memref_slice %arg4[%dma_wait3A_107, %dma_wait3A_108] : memref<100000x768xf32, #tpu.memory_space<hbm>> -> memref<100000x768xf32, #tpu.memory_space<hbm>>
    tpu.wait_indirect_dma semaphore(%arg14 : memref<!tpu.dma_semaphore, #tpu.memory_space<semaphore_mem>>) src(%dma_wait3A_109 : memref<100000x768xf32, #tpu.memory_space<hbm>>) dst(%arg11 : memref<32x768xf32, #tpu.memory_space<vmem>>)
    %add3A_110 = arith.constant 96 : i32
    %add3A_111 = arith.addi %mul3A_2, %add3A_110 : i32
    "tpu.region"() ({
      %run_scoped3A = tpu.sem_alloc : memref<!tpu.dma_semaphore, #tpu.memory_space<semaphore_mem>>
      %dma_start3A_209 = arith.constant 0 : i32
      %dma_start3A_210 = tpu.memref_slice %arg6[%add3A_111, %dma_start3A_209] : memref<8192x768xf32, #tpu.memory_space<hbm>> -> memref<32x768xf32, #tpu.memory_space<hbm>>
      %dma_start3A_211 = arith.constant 0 : i32
      %dma_start3A_212 = tpu.memref_slice %arg6[%add3A_111, %dma_start3A_211] : memref<8192x768xf32, #tpu.memory_space<hbm>> -> memref<32x768xf32, #tpu.memory_space<hbm>>
      tpu.enqueue_dma source(%arg11 : memref<32x768xf32, #tpu.memory_space<vmem>>) target(%dma_start3A_212 : memref<32x768xf32, #tpu.memory_space<hbm>>) target_semaphore(%run_scoped3A : memref<!tpu.dma_semaphore, #tpu.memory_space<semaphore_mem>>)
      %dma_wait3A_213 = arith.constant 0 : i32
      %dma_wait3A_214 = tpu.memref_slice %arg6[%add3A_111, %dma_wait3A_213] : memref<8192x768xf32, #tpu.memory_space<hbm>> -> memref<32x768xf32, #tpu.memory_space<hbm>>
      %dma_wait3A_215 = arith.constant 0 : i32
      %dma_wait3A_216 = tpu.memref_slice %arg6[%add3A_111, %dma_wait3A_215] : memref<8192x768xf32, #tpu.memory_space<hbm>> -> memref<32x768xf32, #tpu.memory_space<hbm>>
      tpu.wait_dma2 semaphore(%run_scoped3A : memref<!tpu.dma_semaphore, #tpu.memory_space<semaphore_mem>>) src(%arg11 : memref<32x768xf32, #tpu.memory_space<vmem>>) dst(%dma_wait3A_216 : memref<32x768xf32, #tpu.memory_space<hbm>>)
      tpu.yield
    }) : () -> ()
    %dma_start3A_112 = arith.constant 5 : i32
    %dma_start3A_113 = arith.constant 0 : i32
    %dma_start3A_114 = tpu.memref_slice %arg8[%dma_start3A_112, %dma_start3A_113] : memref<8x32xi32, #tpu.memory_space<vmem>> -> memref<1x32xi32, #tpu.memory_space<vmem>>
    %dma_start3A_115 = tpu.memref_squeeze %dma_start3A_114 : memref<1x32xi32, #tpu.memory_space<vmem>> -> memref<32xi32, #tpu.memory_space<vmem>>
    %dma_start3A_116 = arith.constant 0 : i32
    %dma_start3A_117 = arith.constant 0 : i32
    %dma_start3A_118 = tpu.memref_slice %arg4[%dma_start3A_116, %dma_start3A_117] : memref<100000x768xf32, #tpu.memory_space<hbm>> -> memref<100000x768xf32, #tpu.memory_space<hbm>>
    tpu.enqueue_indirect_dma source(%dma_start3A_118 : memref<100000x768xf32, #tpu.memory_space<hbm>>) target(%arg11 : memref<32x768xf32, #tpu.memory_space<vmem>>) offsets(%dma_start3A_115 : memref<32xi32, #tpu.memory_space<vmem>>) semaphore(%arg14 : memref<!tpu.dma_semaphore, #tpu.memory_space<semaphore_mem>>)
    %dma_wait3A_119 = arith.constant 4 : i32
    %dma_wait3A_120 = arith.constant 0 : i32
    %dma_wait3A_121 = tpu.memref_slice %arg8[%dma_wait3A_119, %dma_wait3A_120] : memref<8x32xi32, #tpu.memory_space<vmem>> -> memref<1x32xi32, #tpu.memory_space<vmem>>
    %dma_wait3A_122 = tpu.memref_squeeze %dma_wait3A_121 : memref<1x32xi32, #tpu.memory_space<vmem>> -> memref<32xi32, #tpu.memory_space<vmem>>
    %dma_wait3A_123 = arith.constant 0 : i32
    %dma_wait3A_124 = arith.constant 0 : i32
    %dma_wait3A_125 = tpu.memref_slice %arg4[%dma_wait3A_123, %dma_wait3A_124] : memref<100000x768xf32, #tpu.memory_space<hbm>> -> memref<100000x768xf32, #tpu.memory_space<hbm>>
    tpu.wait_indirect_dma semaphore(%arg13 : memref<!tpu.dma_semaphore, #tpu.memory_space<semaphore_mem>>) src(%dma_wait3A_125 : memref<100000x768xf32, #tpu.memory_space<hbm>>) dst(%arg10 : memref<32x768xf32, #tpu.memory_space<vmem>>)
    %add3A_126 = arith.constant 128 : i32
    %add3A_127 = arith.addi %mul3A_2, %add3A_126 : i32
    "tpu.region"() ({
      %run_scoped3A = tpu.sem_alloc : memref<!tpu.dma_semaphore, #tpu.memory_space<semaphore_mem>>
      %dma_start3A_209 = arith.constant 0 : i32
      %dma_start3A_210 = tpu.memref_slice %arg6[%add3A_127, %dma_start3A_209] : memref<8192x768xf32, #tpu.memory_space<hbm>> -> memref<32x768xf32, #tpu.memory_space<hbm>>
      %dma_start3A_211 = arith.constant 0 : i32
      %dma_start3A_212 = tpu.memref_slice %arg6[%add3A_127, %dma_start3A_211] : memref<8192x768xf32, #tpu.memory_space<hbm>> -> memref<32x768xf32, #tpu.memory_space<hbm>>
      tpu.enqueue_dma source(%arg10 : memref<32x768xf32, #tpu.memory_space<vmem>>) target(%dma_start3A_212 : memref<32x768xf32, #tpu.memory_space<hbm>>) target_semaphore(%run_scoped3A : memref<!tpu.dma_semaphore, #tpu.memory_space<semaphore_mem>>)
      %dma_wait3A_213 = arith.constant 0 : i32
      %dma_wait3A_214 = tpu.memref_slice %arg6[%add3A_127, %dma_wait3A_213] : memref<8192x768xf32, #tpu.memory_space<hbm>> -> memref<32x768xf32, #tpu.memory_space<hbm>>
      %dma_wait3A_215 = arith.constant 0 : i32
      %dma_wait3A_216 = tpu.memref_slice %arg6[%add3A_127, %dma_wait3A_215] : memref<8192x768xf32, #tpu.memory_space<hbm>> -> memref<32x768xf32, #tpu.memory_space<hbm>>
      tpu.wait_dma2 semaphore(%run_scoped3A : memref<!tpu.dma_semaphore, #tpu.memory_space<semaphore_mem>>) src(%arg10 : memref<32x768xf32, #tpu.memory_space<vmem>>) dst(%dma_wait3A_216 : memref<32x768xf32, #tpu.memory_space<hbm>>)
      tpu.yield
    }) : () -> ()
    %dma_start3A_128 = arith.constant 6 : i32
    %dma_start3A_129 = arith.constant 0 : i32
    %dma_start3A_130 = tpu.memref_slice %arg8[%dma_start3A_128, %dma_start3A_129] : memref<8x32xi32, #tpu.memory_space<vmem>> -> memref<1x32xi32, #tpu.memory_space<vmem>>
    %dma_start3A_131 = tpu.memref_squeeze %dma_start3A_130 : memref<1x32xi32, #tpu.memory_space<vmem>> -> memref<32xi32, #tpu.memory_space<vmem>>
    %dma_start3A_132 = arith.constant 0 : i32
    %dma_start3A_133 = arith.constant 0 : i32
    %dma_start3A_134 = tpu.memref_slice %arg4[%dma_start3A_132, %dma_start3A_133] : memref<100000x768xf32, #tpu.memory_space<hbm>> -> memref<100000x768xf32, #tpu.memory_space<hbm>>
    tpu.enqueue_indirect_dma source(%dma_start3A_134 : memref<100000x768xf32, #tpu.memory_space<hbm>>) target(%arg10 : memref<32x768xf32, #tpu.memory_space<vmem>>) offsets(%dma_start3A_131 : memref<32xi32, #tpu.memory_space<vmem>>) semaphore(%arg13 : memref<!tpu.dma_semaphore, #tpu.memory_space<semaphore_mem>>)
    %dma_wait3A_135 = arith.constant 5 : i32
    %dma_wait3A_136 = arith.constant 0 : i32
    %dma_wait3A_137 = tpu.memref_slice %arg8[%dma_wait3A_135, %dma_wait3A_136] : memref<8x32xi32, #tpu.memory_space<vmem>> -> memref<1x32xi32, #tpu.memory_space<vmem>>
    %dma_wait3A_138 = tpu.memref_squeeze %dma_wait3A_137 : memref<1x32xi32, #tpu.memory_space<vmem>> -> memref<32xi32, #tpu.memory_space<vmem>>
    %dma_wait3A_139 = arith.constant 0 : i32
    %dma_wait3A_140 = arith.constant 0 : i32
    %dma_wait3A_141 = tpu.memref_slice %arg4[%dma_wait3A_139, %dma_wait3A_140] : memref<100000x768xf32, #tpu.memory_space<hbm>> -> memref<100000x768xf32, #tpu.memory_space<hbm>>
    tpu.wait_indirect_dma semaphore(%arg14 : memref<!tpu.dma_semaphore, #tpu.memory_space<semaphore_mem>>) src(%dma_wait3A_141 : memref<100000x768xf32, #tpu.memory_space<hbm>>) dst(%arg11 : memref<32x768xf32, #tpu.memory_space<vmem>>)
    %add3A_142 = arith.constant 160 : i32
    %add3A_143 = arith.addi %mul3A_2, %add3A_142 : i32
    "tpu.region"() ({
      %run_scoped3A = tpu.sem_alloc : memref<!tpu.dma_semaphore, #tpu.memory_space<semaphore_mem>>
      %dma_start3A_209 = arith.constant 0 : i32
      %dma_start3A_210 = tpu.memref_slice %arg6[%add3A_143, %dma_start3A_209] : memref<8192x768xf32, #tpu.memory_space<hbm>> -> memref<32x768xf32, #tpu.memory_space<hbm>>
      %dma_start3A_211 = arith.constant 0 : i32
      %dma_start3A_212 = tpu.memref_slice %arg6[%add3A_143, %dma_start3A_211] : memref<8192x768xf32, #tpu.memory_space<hbm>> -> memref<32x768xf32, #tpu.memory_space<hbm>>
      tpu.enqueue_dma source(%arg11 : memref<32x768xf32, #tpu.memory_space<vmem>>) target(%dma_start3A_212 : memref<32x768xf32, #tpu.memory_space<hbm>>) target_semaphore(%run_scoped3A : memref<!tpu.dma_semaphore, #tpu.memory_space<semaphore_mem>>)
      %dma_wait3A_213 = arith.constant 0 : i32
      %dma_wait3A_214 = tpu.memref_slice %arg6[%add3A_143, %dma_wait3A_213] : memref<8192x768xf32, #tpu.memory_space<hbm>> -> memref<32x768xf32, #tpu.memory_space<hbm>>
      %dma_wait3A_215 = arith.constant 0 : i32
      %dma_wait3A_216 = tpu.memref_slice %arg6[%add3A_143, %dma_wait3A_215] : memref<8192x768xf32, #tpu.memory_space<hbm>> -> memref<32x768xf32, #tpu.memory_space<hbm>>
      tpu.wait_dma2 semaphore(%run_scoped3A : memref<!tpu.dma_semaphore, #tpu.memory_space<semaphore_mem>>) src(%arg11 : memref<32x768xf32, #tpu.memory_space<vmem>>) dst(%dma_wait3A_216 : memref<32x768xf32, #tpu.memory_space<hbm>>)
      tpu.yield
    }) : () -> ()
    %dma_start3A_144 = arith.constant 7 : i32
    %dma_start3A_145 = arith.constant 0 : i32
    %dma_start3A_146 = tpu.memref_slice %arg8[%dma_start3A_144, %dma_start3A_145] : memref<8x32xi32, #tpu.memory_space<vmem>> -> memref<1x32xi32, #tpu.memory_space<vmem>>
    %dma_start3A_147 = tpu.memref_squeeze %dma_start3A_146 : memref<1x32xi32, #tpu.memory_space<vmem>> -> memref<32xi32, #tpu.memory_space<vmem>>
    %dma_start3A_148 = arith.constant 0 : i32
    %dma_start3A_149 = arith.constant 0 : i32
    %dma_start3A_150 = tpu.memref_slice %arg4[%dma_start3A_148, %dma_start3A_149] : memref<100000x768xf32, #tpu.memory_space<hbm>> -> memref<100000x768xf32, #tpu.memory_space<hbm>>
    tpu.enqueue_indirect_dma source(%dma_start3A_150 : memref<100000x768xf32, #tpu.memory_space<hbm>>) target(%arg11 : memref<32x768xf32, #tpu.memory_space<vmem>>) offsets(%dma_start3A_147 : memref<32xi32, #tpu.memory_space<vmem>>) semaphore(%arg14 : memref<!tpu.dma_semaphore, #tpu.memory_space<semaphore_mem>>)
    %dma_wait3A_151 = arith.constant 6 : i32
    %dma_wait3A_152 = arith.constant 0 : i32
    %dma_wait3A_153 = tpu.memref_slice %arg8[%dma_wait3A_151, %dma_wait3A_152] : memref<8x32xi32, #tpu.memory_space<vmem>> -> memref<1x32xi32, #tpu.memory_space<vmem>>
    %dma_wait3A_154 = tpu.memref_squeeze %dma_wait3A_153 : memref<1x32xi32, #tpu.memory_space<vmem>> -> memref<32xi32, #tpu.memory_space<vmem>>
    %dma_wait3A_155 = arith.constant 0 : i32
    %dma_wait3A_156 = arith.constant 0 : i32
    %dma_wait3A_157 = tpu.memref_slice %arg4[%dma_wait3A_155, %dma_wait3A_156] : memref<100000x768xf32, #tpu.memory_space<hbm>> -> memref<100000x768xf32, #tpu.memory_space<hbm>>
    tpu.wait_indirect_dma semaphore(%arg13 : memref<!tpu.dma_semaphore, #tpu.memory_space<semaphore_mem>>) src(%dma_wait3A_157 : memref<100000x768xf32, #tpu.memory_space<hbm>>) dst(%arg10 : memref<32x768xf32, #tpu.memory_space<vmem>>)
    %add3A_158 = arith.constant 192 : i32
    %add3A_159 = arith.addi %mul3A_2, %add3A_158 : i32
    "tpu.region"() ({
      %run_scoped3A = tpu.sem_alloc : memref<!tpu.dma_semaphore, #tpu.memory_space<semaphore_mem>>
      %dma_start3A_209 = arith.constant 0 : i32
      %dma_start3A_210 = tpu.memref_slice %arg6[%add3A_159, %dma_start3A_209] : memref<8192x768xf32, #tpu.memory_space<hbm>> -> memref<32x768xf32, #tpu.memory_space<hbm>>
      %dma_start3A_211 = arith.constant 0 : i32
      %dma_start3A_212 = tpu.memref_slice %arg6[%add3A_159, %dma_start3A_211] : memref<8192x768xf32, #tpu.memory_space<hbm>> -> memref<32x768xf32, #tpu.memory_space<hbm>>
      tpu.enqueue_dma source(%arg10 : memref<32x768xf32, #tpu.memory_space<vmem>>) target(%dma_start3A_212 : memref<32x768xf32, #tpu.memory_space<hbm>>) target_semaphore(%run_scoped3A : memref<!tpu.dma_semaphore, #tpu.memory_space<semaphore_mem>>)
      %dma_wait3A_213 = arith.constant 0 : i32
      %dma_wait3A_214 = tpu.memref_slice %arg6[%add3A_159, %dma_wait3A_213] : memref<8192x768xf32, #tpu.memory_space<hbm>> -> memref<32x768xf32, #tpu.memory_space<hbm>>
      %dma_wait3A_215 = arith.constant 0 : i32
      %dma_wait3A_216 = tpu.memref_slice %arg6[%add3A_159, %dma_wait3A_215] : memref<8192x768xf32, #tpu.memory_space<hbm>> -> memref<32x768xf32, #tpu.memory_space<hbm>>
      tpu.wait_dma2 semaphore(%run_scoped3A : memref<!tpu.dma_semaphore, #tpu.memory_space<semaphore_mem>>) src(%arg10 : memref<32x768xf32, #tpu.memory_space<vmem>>) dst(%dma_wait3A_216 : memref<32x768xf32, #tpu.memory_space<hbm>>)
      tpu.yield
    }) : () -> ()
    %dma_wait3A_160 = arith.constant 7 : i32
    %dma_wait3A_161 = arith.constant 0 : i32
    %dma_wait3A_162 = tpu.memref_slice %arg8[%dma_wait3A_160, %dma_wait3A_161] : memref<8x32xi32, #tpu.memory_space<vmem>> -> memref<1x32xi32, #tpu.memory_space<vmem>>
    %dma_wait3A_163 = tpu.memref_squeeze %dma_wait3A_162 : memref<1x32xi32, #tpu.memory_space<vmem>> -> memref<32xi32, #tpu.memory_space<vmem>>
    %dma_wait3A_164 = arith.constant 0 : i32
    %dma_wait3A_165 = arith.constant 0 : i32
    %dma_wait3A_166 = tpu.memref_slice %arg4[%dma_wait3A_164, %dma_wait3A_165] : memref<100000x768xf32, #tpu.memory_space<hbm>> -> memref<100000x768xf32, #tpu.memory_space<hbm>>
    tpu.wait_indirect_dma semaphore(%arg14 : memref<!tpu.dma_semaphore, #tpu.memory_space<semaphore_mem>>) src(%dma_wait3A_166 : memref<100000x768xf32, #tpu.memory_space<hbm>>) dst(%arg11 : memref<32x768xf32, #tpu.memory_space<vmem>>)
    %add3A_167 = arith.constant 224 : i32
    %add3A_168 = arith.addi %mul3A_2, %add3A_167 : i32
    "tpu.region"() ({
      %run_scoped3A = tpu.sem_alloc : memref<!tpu.dma_semaphore, #tpu.memory_space<semaphore_mem>>
      %dma_start3A_209 = arith.constant 0 : i32
      %dma_start3A_210 = tpu.memref_slice %arg6[%add3A_168, %dma_start3A_209] : memref<8192x768xf32, #tpu.memory_space<hbm>> -> memref<32x768xf32, #tpu.memory_space<hbm>>
      %dma_start3A_211 = arith.constant 0 : i32
      %dma_start3A_212 = tpu.memref_slice %arg6[%add3A_168, %dma_start3A_211] : memref<8192x768xf32, #tpu.memory_space<hbm>> -> memref<32x768xf32, #tpu.memory_space<hbm>>
      tpu.enqueue_dma source(%arg11 : memref<32x768xf32, #tpu.memory_space<vmem>>) target(%dma_start3A_212 : memref<32x768xf32, #tpu.memory_space<hbm>>) target_semaphore(%run_scoped3A : memref<!tpu.dma_semaphore, #tpu.memory_space<semaphore_mem>>)
      %dma_wait3A_213 = arith.constant 0 : i32
      %dma_wait3A_214 = tpu.memref_slice %arg6[%add3A_168, %dma_wait3A_213] : memref<8192x768xf32, #tpu.memory_space<hbm>> -> memref<32x768xf32, #tpu.memory_space<hbm>>
      %dma_wait3A_215 = arith.constant 0 : i32
      %dma_wait3A_216 = tpu.memref_slice %arg6[%add3A_168, %dma_wait3A_215] : memref<8192x768xf32, #tpu.memory_space<hbm>> -> memref<32x768xf32, #tpu.memory_space<hbm>>
      tpu.wait_dma2 semaphore(%run_scoped3A : memref<!tpu.dma_semaphore, #tpu.memory_space<semaphore_mem>>) src(%arg11 : memref<32x768xf32, #tpu.memory_space<vmem>>) dst(%dma_wait3A_216 : memref<32x768xf32, #tpu.memory_space<hbm>>)
      tpu.yield
    }) : () -> ()
    %dma_wait3A_169 = arith.constant 0 : i32
    %dma_wait3A_170 = arith.constant 0 : i32
    %dma_wait3A_171 = arith.constant 0 : i32
    %dma_wait3A_172 = tpu.memref_slice %arg12[%dma_wait3A_170, %dma_wait3A_171] : memref<256x128xf32, #tpu.memory_space<vmem>> -> memref<64x128xf32, #tpu.memory_space<vmem>>
    %dma_wait3A_173 = arith.constant 0 : i32
    %dma_wait3A_174 = tpu.memref_slice %arg9[%dma_wait3A_169, %dma_wait3A_173] : memref<4x64xi32, #tpu.memory_space<vmem>> -> memref<1x64xi32, #tpu.memory_space<vmem>>
    %dma_wait3A_175 = tpu.memref_squeeze %dma_wait3A_174 : memref<1x64xi32, #tpu.memory_space<vmem>> -> memref<64xi32, #tpu.memory_space<vmem>>
    %dma_wait3A_176 = arith.constant 0 : i32
    %dma_wait3A_177 = arith.constant 0 : i32
    %dma_wait3A_178 = tpu.memref_slice %arg5[%dma_wait3A_176, %dma_wait3A_177] : memref<51200x128xf32, #tpu.memory_space<hbm>> -> memref<51200x128xf32, #tpu.memory_space<hbm>>
    tpu.wait_indirect_dma semaphore(%arg15 : memref<!tpu.dma_semaphore, #tpu.memory_space<semaphore_mem>>) src(%dma_wait3A_178 : memref<51200x128xf32, #tpu.memory_space<hbm>>) dst(%dma_wait3A_172 : memref<64x128xf32, #tpu.memory_space<vmem>>)
    %dma_wait3A_179 = arith.constant 1 : i32
    %dma_wait3A_180 = arith.constant 64 : i32
    %dma_wait3A_181 = arith.constant 0 : i32
    %dma_wait3A_182 = tpu.memref_slice %arg12[%dma_wait3A_180, %dma_wait3A_181] : memref<256x128xf32, #tpu.memory_space<vmem>> -> memref<64x128xf32, #tpu.memory_space<vmem>>
    %dma_wait3A_183 = arith.constant 0 : i32
    %dma_wait3A_184 = tpu.memref_slice %arg9[%dma_wait3A_179, %dma_wait3A_183] : memref<4x64xi32, #tpu.memory_space<vmem>> -> memref<1x64xi32, #tpu.memory_space<vmem>>
    %dma_wait3A_185 = tpu.memref_squeeze %dma_wait3A_184 : memref<1x64xi32, #tpu.memory_space<vmem>> -> memref<64xi32, #tpu.memory_space<vmem>>
    %dma_wait3A_186 = arith.constant 0 : i32
    %dma_wait3A_187 = arith.constant 0 : i32
    %dma_wait3A_188 = tpu.memref_slice %arg5[%dma_wait3A_186, %dma_wait3A_187] : memref<51200x128xf32, #tpu.memory_space<hbm>> -> memref<51200x128xf32, #tpu.memory_space<hbm>>
    tpu.wait_indirect_dma semaphore(%arg15 : memref<!tpu.dma_semaphore, #tpu.memory_space<semaphore_mem>>) src(%dma_wait3A_188 : memref<51200x128xf32, #tpu.memory_space<hbm>>) dst(%dma_wait3A_182 : memref<64x128xf32, #tpu.memory_space<vmem>>)
    %dma_wait3A_189 = arith.constant 2 : i32
    %dma_wait3A_190 = arith.constant 128 : i32
    %dma_wait3A_191 = arith.constant 0 : i32
    %dma_wait3A_192 = tpu.memref_slice %arg12[%dma_wait3A_190, %dma_wait3A_191] : memref<256x128xf32, #tpu.memory_space<vmem>> -> memref<64x128xf32, #tpu.memory_space<vmem>>
    %dma_wait3A_193 = arith.constant 0 : i32
    %dma_wait3A_194 = tpu.memref_slice %arg9[%dma_wait3A_189, %dma_wait3A_193] : memref<4x64xi32, #tpu.memory_space<vmem>> -> memref<1x64xi32, #tpu.memory_space<vmem>>
    %dma_wait3A_195 = tpu.memref_squeeze %dma_wait3A_194 : memref<1x64xi32, #tpu.memory_space<vmem>> -> memref<64xi32, #tpu.memory_space<vmem>>
    %dma_wait3A_196 = arith.constant 0 : i32
    %dma_wait3A_197 = arith.constant 0 : i32
    %dma_wait3A_198 = tpu.memref_slice %arg5[%dma_wait3A_196, %dma_wait3A_197] : memref<51200x128xf32, #tpu.memory_space<hbm>> -> memref<51200x128xf32, #tpu.memory_space<hbm>>
    tpu.wait_indirect_dma semaphore(%arg15 : memref<!tpu.dma_semaphore, #tpu.memory_space<semaphore_mem>>) src(%dma_wait3A_198 : memref<51200x128xf32, #tpu.memory_space<hbm>>) dst(%dma_wait3A_192 : memref<64x128xf32, #tpu.memory_space<vmem>>)
    %dma_wait3A_199 = arith.constant 3 : i32
    %dma_wait3A_200 = arith.constant 192 : i32
    %dma_wait3A_201 = arith.constant 0 : i32
    %dma_wait3A_202 = tpu.memref_slice %arg12[%dma_wait3A_200, %dma_wait3A_201] : memref<256x128xf32, #tpu.memory_space<vmem>> -> memref<64x128xf32, #tpu.memory_space<vmem>>
    %dma_wait3A_203 = arith.constant 0 : i32
    %dma_wait3A_204 = tpu.memref_slice %arg9[%dma_wait3A_199, %dma_wait3A_203] : memref<4x64xi32, #tpu.memory_space<vmem>> -> memref<1x64xi32, #tpu.memory_space<vmem>>
    %dma_wait3A_205 = tpu.memref_squeeze %dma_wait3A_204 : memref<1x64xi32, #tpu.memory_space<vmem>> -> memref<64xi32, #tpu.memory_space<vmem>>
    %dma_wait3A_206 = arith.constant 0 : i32
    %dma_wait3A_207 = arith.constant 0 : i32
    %dma_wait3A_208 = tpu.memref_slice %arg5[%dma_wait3A_206, %dma_wait3A_207] : memref<51200x128xf32, #tpu.memory_space<hbm>> -> memref<51200x128xf32, #tpu.memory_space<hbm>>
    tpu.wait_indirect_dma semaphore(%arg15 : memref<!tpu.dma_semaphore, #tpu.memory_space<semaphore_mem>>) src(%dma_wait3A_208 : memref<51200x128xf32, #tpu.memory_space<hbm>>) dst(%dma_wait3A_202 : memref<64x128xf32, #tpu.memory_space<vmem>>)
    "tpu.region"() ({
      %run_scoped3A = tpu.sem_alloc : memref<!tpu.dma_semaphore, #tpu.memory_space<semaphore_mem>>
      %dma_start3A_209 = arith.constant 0 : i32
      %dma_start3A_210 = tpu.memref_slice %arg7[%mul3A_2, %dma_start3A_209] : memref<8192x128xf32, #tpu.memory_space<hbm>> -> memref<256x128xf32, #tpu.memory_space<hbm>>
      %dma_start3A_211 = arith.constant 0 : i32
      %dma_start3A_212 = tpu.memref_slice %arg7[%mul3A_2, %dma_start3A_211] : memref<8192x128xf32, #tpu.memory_space<hbm>> -> memref<256x128xf32, #tpu.memory_space<hbm>>
      tpu.enqueue_dma source(%arg12 : memref<256x128xf32, #tpu.memory_space<vmem>>) target(%dma_start3A_212 : memref<256x128xf32, #tpu.memory_space<hbm>>) target_semaphore(%run_scoped3A : memref<!tpu.dma_semaphore, #tpu.memory_space<semaphore_mem>>)
      %dma_wait3A_213 = arith.constant 0 : i32
      %dma_wait3A_214 = tpu.memref_slice %arg7[%mul3A_2, %dma_wait3A_213] : memref<8192x128xf32, #tpu.memory_space<hbm>> -> memref<256x128xf32, #tpu.memory_space<hbm>>
      %dma_wait3A_215 = arith.constant 0 : i32
      %dma_wait3A_216 = tpu.memref_slice %arg7[%mul3A_2, %dma_wait3A_215] : memref<8192x128xf32, #tpu.memory_space<hbm>> -> memref<256x128xf32, #tpu.memory_space<hbm>>
      tpu.wait_dma2 semaphore(%run_scoped3A : memref<!tpu.dma_semaphore, #tpu.memory_space<semaphore_mem>>) src(%arg12 : memref<256x128xf32, #tpu.memory_space<vmem>>) dst(%dma_wait3A_216 : memref<256x128xf32, #tpu.memory_space<hbm>>)
      tpu.yield
    }) : () -> ()
    return
  }
}

module attributes {stable_mosaic.version = 14 : i64} {
  func.func @_pair_body(%arg0: i32, %arg1: memref<64x2048xf32, #tpu.memory_space<vmem>>, %arg2: memref<64x2048xf32, #tpu.memory_space<vmem>>, %arg3: memref<2048x128xf32, #tpu.memory_space<vmem>>) attributes {dimension_semantics = [#tpu.dimension_semantics<arbitrary>], iteration_bounds = array<i64: 25>, scalar_prefetch = 0 : i64, scratch_operands = 0 : i64, tpu.core_type = #tpu.core_type<tc>, window_params = [{transform_indices = @transform_0, window_bounds = array<i64: 64, 2048>}, {transform_indices = @transform_1, window_bounds = array<i64: 64, 2048>}, {transform_indices = @transform_2, window_bounds = array<i64: 2048, 128>}]} {
    %get3A = arith.constant 0 : index
    %get3A_0 = arith.constant 0 : index
    %get3A_1 = vector.load %arg1[%get3A, %get3A_0] : memref<64x2048xf32, #tpu.memory_space<vmem>>, vector<64x2048xf32>
    %get3A_2 = arith.constant 0 : index
    %get3A_3 = arith.constant 0 : index
    %get3A_4 = vector.load %arg2[%get3A_2, %get3A_3] : memref<64x2048xf32, #tpu.memory_space<vmem>>, vector<64x2048xf32>
    %concatenate3A = tpu.concatenate %get3A_1, %get3A_4 in 0 : vector<64x2048xf32>, vector<64x2048xf32> -> vector<128x2048xf32>
    %transpose3A = tpu.transpose %concatenate3A, [1, 0] : vector<128x2048xf32> -> vector<2048x128xf32>
    %swap3A = arith.constant 0 : index
    %swap3A_5 = arith.constant 0 : index
    %swap3A_6 = vector.load %arg3[%swap3A, %swap3A_5] : memref<2048x128xf32, #tpu.memory_space<vmem>>, vector<2048x128xf32>
    tpu.vector_store %arg3[%swap3A, %swap3A_5], %transpose3A {strides = array<i32>} : memref<2048x128xf32, #tpu.memory_space<vmem>>, vector<2048x128xf32>,
    return
  }
  func.func @transform_0(%arg0: i32) -> (i32, i32) {
    %c0_i32 = arith.constant 0 : i32
    %c0_i32_0 = arith.constant 0 : i32
    return %c0_i32, %arg0 : i32, i32
  }
  func.func @transform_1(%arg0: i32) -> (i32, i32) {
    %add3A = arith.constant 25 : i32
    %add3A_0 = arith.addi %add3A, %arg0 : i32
    %min3A = arith.constant 48 : i32
    %min3A_1 = arith.minsi %add3A_0, %min3A : i32
    %c0_i32 = arith.constant 0 : i32
    %c0_i32_2 = arith.constant 0 : i32
    return %c0_i32, %min3A_1 : i32, i32
  }
  func.func @transform_2(%arg0: i32) -> (i32, i32) {
    %c0_i32 = arith.constant 0 : i32
    %c0_i32_0 = arith.constant 0 : i32
    return %arg0, %c0_i32 : i32, i32
  }
}

module attributes {stable_mosaic.version = 14 : i64} {
  func.func @_tc_body(%arg0: i32, %arg1: memref<1x1x1024xf32, #tpu.memory_space<vmem>>, %arg2: memref<1x1x1024xf32, #tpu.memory_space<vmem>>, %arg3: memref<1024x768xf32, #tpu.memory_space<vmem>>, %arg4: memref<1024x128xf32, #tpu.memory_space<vmem>>, %arg5: memref<1024x768xf32, #tpu.memory_space<vmem>>, %arg6: memref<2x768xf32, #tpu.memory_space<vmem>>, %arg7: memref<64x768xf32, #tpu.memory_space<vmem>>, %arg8: memref<1x768xf32, #tpu.memory_space<vmem>>, %arg9: memref<768x768xf32, #tpu.memory_space<vmem>>, %arg10: memref<768x768xf32, #tpu.memory_space<vmem>>, %arg11: memref<1x768xf32, #tpu.memory_space<vmem>>, %arg12: memref<1x768xf32, #tpu.memory_space<vmem>>, %arg13: memref<1x768xf32, #tpu.memory_space<vmem>>, %arg14: memref<1x768xf32, #tpu.memory_space<vmem>>, %arg15: memref<768x768xf32, #tpu.memory_space<vmem>>, %arg16: memref<1x768xf32, #tpu.memory_space<vmem>>, %arg17: memref<1x768xf32, #tpu.memory_space<vmem>>, %arg18: memref<1x768xf32, #tpu.memory_space<vmem>>, %arg19: memref<1024x768xf32, #tpu.memory_space<vmem>>) attributes {dimension_semantics = [#tpu.dimension_semantics<arbitrary>], iteration_bounds = array<i64: 8>, scalar_prefetch = 0 : i64, scratch_operands = 0 : i64, tpu.core_type = #tpu.core_type<tc>, window_params = [{transform_indices = @transform_0, window_bounds = array<i64: 1, 1, 1024>}, {transform_indices = @transform_1, window_bounds = array<i64: 1, 1, 1024>}, {transform_indices = @transform_2, window_bounds = array<i64: 1024, 768>}, {transform_indices = @transform_3, window_bounds = array<i64: 1024, 128>}, {transform_indices = @transform_4, window_bounds = array<i64: 1024, 768>}, {pipeline_mode = #tpu.pipeline_mode<synchronous>, transform_indices = @transform_5, window_bounds = array<i64: 2, 768>}, {pipeline_mode = #tpu.pipeline_mode<synchronous>, transform_indices = @transform_6, window_bounds = array<i64: 64, 768>}, {pipeline_mode = #tpu.pipeline_mode<synchronous>, transform_indices = @transform_7, window_bounds = array<i64: 1, 768>}, {pipeline_mode = #tpu.pipeline_mode<synchronous>, transform_indices = @transform_8, window_bounds = array<i64: 768, 768>}, {pipeline_mode = #tpu.pipeline_mode<synchronous>, transform_indices = @transform_9, window_bounds = array<i64: 768, 768>}, {pipeline_mode = #tpu.pipeline_mode<synchronous>, transform_indices = @transform_10, window_bounds = array<i64: 1, 768>}, {pipeline_mode = #tpu.pipeline_mode<synchronous>, transform_indices = @transform_11, window_bounds = array<i64: 1, 768>}, {pipeline_mode = #tpu.pipeline_mode<synchronous>, transform_indices = @transform_12, window_bounds = array<i64: 1, 768>}, {pipeline_mode = #tpu.pipeline_mode<synchronous>, transform_indices = @transform_13, window_bounds = array<i64: 1, 768>}, {pipeline_mode = #tpu.pipeline_mode<synchronous>, transform_indices = @transform_14, window_bounds = array<i64: 768, 768>}, {pipeline_mode = #tpu.pipeline_mode<synchronous>, transform_indices = @transform_15, window_bounds = array<i64: 1, 768>}, {pipeline_mode = #tpu.pipeline_mode<synchronous>, transform_indices = @transform_16, window_bounds = array<i64: 1, 768>}, {pipeline_mode = #tpu.pipeline_mode<synchronous>, transform_indices = @transform_17, window_bounds = array<i64: 1, 768>}, {transform_indices = @transform_18, window_bounds = array<i64: 1024, 768>}]} {
    %get3A = arith.constant 0 : index
    %get3A_0 = arith.constant 0 : index
    %get3A_1 = vector.load %arg3[%get3A, %get3A_0] : memref<1024x768xf32, #tpu.memory_space<vmem>>, vector<1024x768xf32>
    %get3A_2 = arith.constant 0 : index
    %get3A_3 = arith.constant 0 : index
    %get3A_4 = vector.load %arg4[%get3A_2, %get3A_3] : memref<1024x128xf32, #tpu.memory_space<vmem>>, vector<1024x128xf32>
    %get3A_5 = arith.constant 0 : index
    %get3A_6 = arith.constant 0 : index
    %get3A_7 = arith.constant 0 : index
    %get3A_8 = vector.load %arg2[%get3A_5, %get3A_6, %get3A_7] : memref<1x1x1024xf32, #tpu.memory_space<vmem>>, vector<1x1x1024xf32>
    %get3A_9 = vector.shape_cast %get3A_8 : vector<1x1x1024xf32> to vector<1024xf32>
    %broadcast_in_dim3A = vector.shape_cast %get3A_9 : vector<1024xf32> to vector<1024x1xf32>
    %slice3A = vector.extract_strided_slice %get3A_4 {offsets = [0, 0], sizes = [1024, 64], strides = [1, 1]} : vector<1024x128xf32> to vector<1024x64xf32>
    %slice3A_10 = vector.extract_strided_slice %get3A_4 {offsets = [0, 64], sizes = [1024, 64], strides = [1, 1]} : vector<1024x128xf32> to vector<1024x64xf32>
    %gt3A = arith.constant 5.000000e-01 : f32
    %gt3A_11 = vector.broadcast %gt3A : f32 to vector<1024x1xf32>
    %gt3A_12 = arith.cmpf ogt, %broadcast_in_dim3A, %gt3A_11 : vector<1024x1xf32>
    %broadcast_in_dim3A_13 = vector.shape_cast %gt3A_12 : vector<1024x1xi1> to vector<1024x1xi1>
    %broadcast_in_dim3A_14 = vector.broadcast %broadcast_in_dim3A_13 : vector<1024x1xi1> to vector<1024x64xi1>
    %select_n3A = arith.select %broadcast_in_dim3A_14, %slice3A_10, %slice3A : vector<1024x64xi1>, vector<1024x64xf32>
    %convert_element_type3A = arith.truncf %select_n3A : vector<1024x64xf32> to vector<1024x64xbf16>
    %get3A_15 = arith.constant 0 : index
    %get3A_16 = arith.constant 0 : index
    %get3A_17 = vector.load %arg7[%get3A_15, %get3A_16] : memref<64x768xf32, #tpu.memory_space<vmem>>, vector<64x768xf32>
    %convert_element_type3A_18 = arith.truncf %get3A_17 : vector<64x768xf32> to vector<64x768xbf16>
    %dot_general3A = arith.constant dense<0.000000e+00> : vector<1024x768xf32>
    %dot_general3A_19 = tpu.matmul %convert_element_type3A, %convert_element_type3A_18, %dot_general3A {dimension_numbers = #tpu.dot_dimension_numbers<[1], [0], [0], [1], [0, 0, 1, 1], [], []>, transpose_lhs_hint = false} : vector<1024x64xbf16>, vector<64x768xbf16>, vector<1024x768xf32> -> vector<1024x768xf32>
    %get3A_20 = arith.constant 0 : index
    %get3A_21 = arith.constant 0 : index
    %get3A_22 = vector.load %arg8[%get3A_20, %get3A_21] : memref<1x768xf32, #tpu.memory_space<vmem>>, vector<1x768xf32>
    %add3A = vector.broadcast %get3A_22 : vector<1x768xf32> to vector<1024x768xf32>
    %add3A_23 = arith.addf %dot_general3A_19, %add3A : vector<1024x768xf32>
    %convert_element_type3A_24 = arith.truncf %get3A_1 : vector<1024x768xf32> to vector<1024x768xbf16>
    %get3A_25 = arith.constant 0 : index
    %get3A_26 = arith.constant 0 : index
    %get3A_27 = vector.load %arg9[%get3A_25, %get3A_26] : memref<768x768xf32, #tpu.memory_space<vmem>>, vector<768x768xf32>
    %convert_element_type3A_28 = arith.truncf %get3A_27 : vector<768x768xf32> to vector<768x768xbf16>
    %dot_general3A_29 = arith.constant dense<0.000000e+00> : vector<1024x768xf32>
    %dot_general3A_30 = tpu.matmul %convert_element_type3A_24, %convert_element_type3A_28, %dot_general3A_29 {dimension_numbers = #tpu.dot_dimension_numbers<[1], [0], [0], [1], [0, 0, 1, 1], [], []>, transpose_lhs_hint = false} : vector<1024x768xbf16>, vector<768x768xbf16>, vector<1024x768xf32> -> vector<1024x768xf32>
    %convert_element_type3A_31 = arith.truncf %add3A_23 : vector<1024x768xf32> to vector<1024x768xbf16>
    %get3A_32 = arith.constant 0 : index
    %get3A_33 = arith.constant 0 : index
    %get3A_34 = vector.load %arg10[%get3A_32, %get3A_33] : memref<768x768xf32, #tpu.memory_space<vmem>>, vector<768x768xf32>
    %convert_element_type3A_35 = arith.truncf %get3A_34 : vector<768x768xf32> to vector<768x768xbf16>
    %dot_general3A_36 = arith.constant dense<0.000000e+00> : vector<1024x768xf32>
    %dot_general3A_37 = tpu.matmul %convert_element_type3A_31, %convert_element_type3A_35, %dot_general3A_36 {dimension_numbers = #tpu.dot_dimension_numbers<[1], [0], [0], [1], [0, 0, 1, 1], [], []>, transpose_lhs_hint = false} : vector<1024x768xbf16>, vector<768x768xbf16>, vector<1024x768xf32> -> vector<1024x768xf32>
    %add3A_38 = arith.addf %dot_general3A_30, %dot_general3A_37 : vector<1024x768xf32>
    %get3A_39 = arith.constant 0 : index
    %get3A_40 = arith.constant 0 : index
    %get3A_41 = arith.constant 0 : index
    %get3A_42 = vector.load %arg1[%get3A_39, %get3A_40, %get3A_41] : memref<1x1x1024xf32, #tpu.memory_space<vmem>>, vector<1x1x1024xf32>
    %get3A_43 = vector.shape_cast %get3A_42 : vector<1x1x1024xf32> to vector<1024xf32>
    %broadcast_in_dim3A_44 = vector.shape_cast %get3A_43 : vector<1024xf32> to vector<1024x1xf32>
    %get3A_45 = arith.constant 0 : index
    %get3A_46 = arith.constant 0 : index
    %get3A_47 = vector.load %arg11[%get3A_45, %get3A_46] : memref<1x768xf32, #tpu.memory_space<vmem>>, vector<1x768xf32>
    %mul3A = vector.broadcast %broadcast_in_dim3A_44 : vector<1024x1xf32> to vector<1024x768xf32>
    %mul3A_48 = vector.broadcast %get3A_47 : vector<1x768xf32> to vector<1024x768xf32>
    %mul3A_49 = arith.mulf %mul3A, %mul3A_48 : vector<1024x768xf32>
    %add3A_50 = arith.addf %add3A_38, %mul3A_49 : vector<1024x768xf32>
    %get3A_51 = arith.constant 0 : index
    %get3A_52 = arith.constant 0 : index
    %get3A_53 = vector.load %arg12[%get3A_51, %get3A_52] : memref<1x768xf32, #tpu.memory_space<vmem>>, vector<1x768xf32>
    %add3A_54 = vector.broadcast %get3A_53 : vector<1x768xf32> to vector<1024x768xf32>
    %add3A_55 = arith.addf %add3A_50, %add3A_54 : vector<1024x768xf32>
    %reduce_sum3A = arith.constant dense<0.000000e+00> : vector<1024xf32>
    %reduce_sum3A_56 = vector.multi_reduction <add>, %add3A_55, %reduce_sum3A [1] : vector<1024x768xf32> to vector<1024xf32>
    %broadcast_in_dim3A_57 = vector.shape_cast %reduce_sum3A_56 : vector<1024xf32> to vector<1024x1xf32>
    %div3A = arith.constant 7.680000e+02 : f32
    %div3A_58 = vector.broadcast %div3A : f32 to vector<1024x1xf32>
    %div3A_59 = arith.divf %broadcast_in_dim3A_57, %div3A_58 : vector<1024x1xf32>
    %sub3A = vector.broadcast %div3A_59 : vector<1024x1xf32> to vector<1024x768xf32>
    %sub3A_60 = arith.subf %add3A_55, %sub3A : vector<1024x768xf32>
    %mul3A_61 = arith.mulf %sub3A_60, %sub3A_60 : vector<1024x768xf32>
    %reduce_sum3A_62 = arith.constant dense<0.000000e+00> : vector<1024xf32>
    %reduce_sum3A_63 = vector.multi_reduction <add>, %mul3A_61, %reduce_sum3A_62 [1] : vector<1024x768xf32> to vector<1024xf32>
    %broadcast_in_dim3A_64 = vector.shape_cast %reduce_sum3A_63 : vector<1024xf32> to vector<1024x1xf32>
    %div3A_65 = arith.constant 7.680000e+02 : f32
    %div3A_66 = vector.broadcast %div3A_65 : f32 to vector<1024x1xf32>
    %div3A_67 = arith.divf %broadcast_in_dim3A_64, %div3A_66 : vector<1024x1xf32>
    %add3A_68 = arith.constant 9.99999996E-13 : f32
    %add3A_69 = vector.broadcast %add3A_68 : f32 to vector<1024x1xf32>
    %add3A_70 = arith.addf %div3A_67, %add3A_69 : vector<1024x1xf32>
    %rsqrt3A = math.rsqrt %add3A_70 : vector<1024x1xf32>
    %mul3A_71 = vector.broadcast %rsqrt3A : vector<1024x1xf32> to vector<1024x768xf32>
    %mul3A_72 = arith.mulf %sub3A_60, %mul3A_71 : vector<1024x768xf32>
    %get3A_73 = arith.constant 0 : index
    %get3A_74 = arith.constant 0 : index
    %get3A_75 = vector.load %arg13[%get3A_73, %get3A_74] : memref<1x768xf32, #tpu.memory_space<vmem>>, vector<1x768xf32>
    %mul3A_76 = vector.broadcast %get3A_75 : vector<1x768xf32> to vector<1024x768xf32>
    %mul3A_77 = arith.mulf %mul3A_72, %mul3A_76 : vector<1024x768xf32>
    %get3A_78 = arith.constant 0 : index
    %get3A_79 = arith.constant 0 : index
    %get3A_80 = vector.load %arg14[%get3A_78, %get3A_79] : memref<1x768xf32, #tpu.memory_space<vmem>>, vector<1x768xf32>
    %add3A_81 = vector.broadcast %get3A_80 : vector<1x768xf32> to vector<1024x768xf32>
    %add3A_82 = arith.addf %mul3A_77, %add3A_81 : vector<1024x768xf32>
    %mul3A_83 = arith.constant 1.702000e+00 : f32
    %mul3A_84 = vector.broadcast %mul3A_83 : f32 to vector<1024x768xf32>
    %mul3A_85 = arith.mulf %mul3A_84, %add3A_82 : vector<1024x768xf32>
    %logistic3A = arith.negf %mul3A_85 : vector<1024x768xf32>
    %logistic3A_86 = math.exp %logistic3A : vector<1024x768xf32>
    %logistic3A_87 = arith.constant 1.000000e+00 : f32
    %logistic3A_88 = vector.broadcast %logistic3A_87 : f32 to vector<1024x768xf32>
    %logistic3A_89 = arith.addf %logistic3A_88, %logistic3A_86 : vector<1024x768xf32>
    %logistic3A_90 = arith.divf %logistic3A_88, %logistic3A_89 : vector<1024x768xf32>
    %mul3A_91 = arith.mulf %add3A_82, %logistic3A_90 : vector<1024x768xf32>
    %convert_element_type3A_92 = arith.truncf %mul3A_91 : vector<1024x768xf32> to vector<1024x768xbf16>
    %get3A_93 = arith.constant 0 : index
    %get3A_94 = arith.constant 0 : index
    %get3A_95 = vector.load %arg15[%get3A_93, %get3A_94] : memref<768x768xf32, #tpu.memory_space<vmem>>, vector<768x768xf32>
    %convert_element_type3A_96 = arith.truncf %get3A_95 : vector<768x768xf32> to vector<768x768xbf16>
    %dot_general3A_97 = arith.constant dense<0.000000e+00> : vector<1024x768xf32>
    %dot_general3A_98 = tpu.matmul %convert_element_type3A_92, %convert_element_type3A_96, %dot_general3A_97 {dimension_numbers = #tpu.dot_dimension_numbers<[1], [0], [0], [1], [0, 0, 1, 1], [], []>, transpose_lhs_hint = false} : vector<1024x768xbf16>, vector<768x768xbf16>, vector<1024x768xf32> -> vector<1024x768xf32>
    %get3A_99 = arith.constant 0 : index
    %get3A_100 = arith.constant 0 : index
    %get3A_101 = vector.load %arg16[%get3A_99, %get3A_100] : memref<1x768xf32, #tpu.memory_space<vmem>>, vector<1x768xf32>
    %add3A_102 = vector.broadcast %get3A_101 : vector<1x768xf32> to vector<1024x768xf32>
    %add3A_103 = arith.addf %dot_general3A_98, %add3A_102 : vector<1024x768xf32>
    %get3A_104 = arith.constant 0 : index
    %get3A_105 = arith.constant 0 : index
    %get3A_106 = vector.load %arg6[%get3A_104, %get3A_105] : memref<2x768xf32, #tpu.memory_space<vmem>>, vector<1x768xf32>
    %add3A_107 = vector.broadcast %get3A_106 : vector<1x768xf32> to vector<1024x768xf32>
    %add3A_108 = arith.addf %add3A_103, %add3A_107 : vector<1024x768xf32>
    %get3A_109 = arith.constant 0 : index
    %get3A_110 = arith.constant 0 : index
    %get3A_111 = vector.load %arg5[%get3A_109, %get3A_110] : memref<1024x768xf32, #tpu.memory_space<vmem>>, vector<1024x768xf32>
    %add3A_112 = arith.addf %add3A_108, %get3A_111 : vector<1024x768xf32>
    %reduce_sum3A_113 = arith.constant dense<0.000000e+00> : vector<1024xf32>
    %reduce_sum3A_114 = vector.multi_reduction <add>, %add3A_112, %reduce_sum3A_113 [1] : vector<1024x768xf32> to vector<1024xf32>
    %broadcast_in_dim3A_115 = vector.shape_cast %reduce_sum3A_114 : vector<1024xf32> to vector<1024x1xf32>
    %div3A_116 = arith.constant 7.680000e+02 : f32
    %div3A_117 = vector.broadcast %div3A_116 : f32 to vector<1024x1xf32>
    %div3A_118 = arith.divf %broadcast_in_dim3A_115, %div3A_117 : vector<1024x1xf32>
    %sub3A_119 = vector.broadcast %div3A_118 : vector<1024x1xf32> to vector<1024x768xf32>
    %sub3A_120 = arith.subf %add3A_112, %sub3A_119 : vector<1024x768xf32>
    %mul3A_121 = arith.mulf %sub3A_120, %sub3A_120 : vector<1024x768xf32>
    %reduce_sum3A_122 = arith.constant dense<0.000000e+00> : vector<1024xf32>
    %reduce_sum3A_123 = vector.multi_reduction <add>, %mul3A_121, %reduce_sum3A_122 [1] : vector<1024x768xf32> to vector<1024xf32>
    %broadcast_in_dim3A_124 = vector.shape_cast %reduce_sum3A_123 : vector<1024xf32> to vector<1024x1xf32>
    %div3A_125 = arith.constant 7.680000e+02 : f32
    %div3A_126 = vector.broadcast %div3A_125 : f32 to vector<1024x1xf32>
    %div3A_127 = arith.divf %broadcast_in_dim3A_124, %div3A_126 : vector<1024x1xf32>
    %add3A_128 = arith.constant 9.99999996E-13 : f32
    %add3A_129 = vector.broadcast %add3A_128 : f32 to vector<1024x1xf32>
    %add3A_130 = arith.addf %div3A_127, %add3A_129 : vector<1024x1xf32>
    %rsqrt3A_131 = math.rsqrt %add3A_130 : vector<1024x1xf32>
    %mul3A_132 = vector.broadcast %rsqrt3A_131 : vector<1024x1xf32> to vector<1024x768xf32>
    %mul3A_133 = arith.mulf %sub3A_120, %mul3A_132 : vector<1024x768xf32>
    %get3A_134 = arith.constant 0 : index
    %get3A_135 = arith.constant 0 : index
    %get3A_136 = vector.load %arg17[%get3A_134, %get3A_135] : memref<1x768xf32, #tpu.memory_space<vmem>>, vector<1x768xf32>
    %mul3A_137 = vector.broadcast %get3A_136 : vector<1x768xf32> to vector<1024x768xf32>
    %mul3A_138 = arith.mulf %mul3A_133, %mul3A_137 : vector<1024x768xf32>
    %get3A_139 = arith.constant 0 : index
    %get3A_140 = arith.constant 0 : index
    %get3A_141 = vector.load %arg18[%get3A_139, %get3A_140] : memref<1x768xf32, #tpu.memory_space<vmem>>, vector<1x768xf32>
    %add3A_142 = vector.broadcast %get3A_141 : vector<1x768xf32> to vector<1024x768xf32>
    %add3A_143 = arith.addf %mul3A_138, %add3A_142 : vector<1024x768xf32>
    %swap3A = arith.constant 0 : index
    %swap3A_144 = arith.constant 0 : index
    %swap3A_145 = vector.load %arg19[%swap3A, %swap3A_144] : memref<1024x768xf32, #tpu.memory_space<vmem>>, vector<1024x768xf32>
    tpu.vector_store %arg19[%swap3A, %swap3A_144], %add3A_143 {strides = array<i32>} : memref<1024x768xf32, #tpu.memory_space<vmem>>, vector<1024x768xf32>,
    return
  }
  func.func @transform_0(%arg0: i32) -> (i32, i32, i32) {
    %c0_i32 = arith.constant 0 : i32
    %c0_i32_0 = arith.constant 0 : i32
    %c0_i32_1 = arith.constant 0 : i32
    return %arg0, %c0_i32, %c0_i32_0 : i32, i32, i32
  }
  func.func @transform_1(%arg0: i32) -> (i32, i32, i32) {
    %c0_i32 = arith.constant 0 : i32
    %c0_i32_0 = arith.constant 0 : i32
    %c0_i32_1 = arith.constant 0 : i32
    return %arg0, %c0_i32, %c0_i32_0 : i32, i32, i32
  }
  func.func @transform_2(%arg0: i32) -> (i32, i32) {
    %c0_i32 = arith.constant 0 : i32
    %c0_i32_0 = arith.constant 0 : i32
    return %arg0, %c0_i32 : i32, i32
  }
  func.func @transform_3(%arg0: i32) -> (i32, i32) {
    %c0_i32 = arith.constant 0 : i32
    %c0_i32_0 = arith.constant 0 : i32
    return %arg0, %c0_i32 : i32, i32
  }
  func.func @transform_4(%arg0: i32) -> (i32, i32) {
    %jit3A = arith.constant 2 : i32
    %eq3A = arith.constant 0 : i32
    %eq3A_0 = arith.cmpi eq, %jit3A, %eq3A : i32
    %jit3A_1 = arith.constant 1 : i32
    %select_n3A = arith.select %eq3A_0, %jit3A_1, %jit3A : i32
    %rem3A = arith.remsi %arg0, %select_n3A : i32
    %ne3A = arith.constant 0 : i32
    %ne3A_2 = arith.cmpi ne, %rem3A, %ne3A : i32
    %lt3A = arith.constant 0 : i32
    %lt3A_3 = arith.cmpi slt, %rem3A, %lt3A : i32
    %lt3A_4 = arith.constant 0 : i32
    %lt3A_5 = arith.cmpi slt, %select_n3A, %lt3A_4 : i32
    %ne3A_6 = arith.xori %lt3A_3, %lt3A_5 : i1
    %and3A = arith.andi %ne3A_6, %ne3A_2 : i1
    %add3A = arith.addi %rem3A, %select_n3A : i32
    %select_n3A_7 = arith.select %and3A, %add3A, %rem3A : i32
    %c0_i32 = arith.constant 0 : i32
    %c0_i32_8 = arith.constant 0 : i32
    return %select_n3A_7, %c0_i32 : i32, i32
  }
  func.func @transform_5(%arg0: i32) -> (i32, i32) {
    %c0_i32 = arith.constant 0 : i32
    %c0_i32_0 = arith.constant 0 : i32
    %c0_i32_1 = arith.constant 0 : i32
    return %c0_i32, %c0_i32_0 : i32, i32
  }
  func.func @transform_6(%arg0: i32) -> (i32, i32) {
    %c0_i32 = arith.constant 0 : i32
    %c0_i32_0 = arith.constant 0 : i32
    %c0_i32_1 = arith.constant 0 : i32
    return %c0_i32, %c0_i32_0 : i32, i32
  }
  func.func @transform_7(%arg0: i32) -> (i32, i32) {
    %c0_i32 = arith.constant 0 : i32
    %c0_i32_0 = arith.constant 0 : i32
    %c0_i32_1 = arith.constant 0 : i32
    return %c0_i32, %c0_i32_0 : i32, i32
  }
  func.func @transform_8(%arg0: i32) -> (i32, i32) {
    %c0_i32 = arith.constant 0 : i32
    %c0_i32_0 = arith.constant 0 : i32
    %c0_i32_1 = arith.constant 0 : i32
    return %c0_i32, %c0_i32_0 : i32, i32
  }
  func.func @transform_9(%arg0: i32) -> (i32, i32) {
    %c0_i32 = arith.constant 0 : i32
    %c0_i32_0 = arith.constant 0 : i32
    %c0_i32_1 = arith.constant 0 : i32
    return %c0_i32, %c0_i32_0 : i32, i32
  }
  func.func @transform_10(%arg0: i32) -> (i32, i32) {
    %c0_i32 = arith.constant 0 : i32
    %c0_i32_0 = arith.constant 0 : i32
    %c0_i32_1 = arith.constant 0 : i32
    return %c0_i32, %c0_i32_0 : i32, i32
  }
  func.func @transform_11(%arg0: i32) -> (i32, i32) {
    %c0_i32 = arith.constant 0 : i32
    %c0_i32_0 = arith.constant 0 : i32
    %c0_i32_1 = arith.constant 0 : i32
    return %c0_i32, %c0_i32_0 : i32, i32
  }
  func.func @transform_12(%arg0: i32) -> (i32, i32) {
    %c0_i32 = arith.constant 0 : i32
    %c0_i32_0 = arith.constant 0 : i32
    %c0_i32_1 = arith.constant 0 : i32
    return %c0_i32, %c0_i32_0 : i32, i32
  }
  func.func @transform_13(%arg0: i32) -> (i32, i32) {
    %c0_i32 = arith.constant 0 : i32
    %c0_i32_0 = arith.constant 0 : i32
    %c0_i32_1 = arith.constant 0 : i32
    return %c0_i32, %c0_i32_0 : i32, i32
  }
  func.func @transform_14(%arg0: i32) -> (i32, i32) {
    %c0_i32 = arith.constant 0 : i32
    %c0_i32_0 = arith.constant 0 : i32
    %c0_i32_1 = arith.constant 0 : i32
    return %c0_i32, %c0_i32_0 : i32, i32
  }
  func.func @transform_15(%arg0: i32) -> (i32, i32) {
    %c0_i32 = arith.constant 0 : i32
    %c0_i32_0 = arith.constant 0 : i32
    %c0_i32_1 = arith.constant 0 : i32
    return %c0_i32, %c0_i32_0 : i32, i32
  }
  func.func @transform_16(%arg0: i32) -> (i32, i32) {
    %c0_i32 = arith.constant 0 : i32
    %c0_i32_0 = arith.constant 0 : i32
    %c0_i32_1 = arith.constant 0 : i32
    return %c0_i32, %c0_i32_0 : i32, i32
  }
  func.func @transform_17(%arg0: i32) -> (i32, i32) {
    %c0_i32 = arith.constant 0 : i32
    %c0_i32_0 = arith.constant 0 : i32
    %c0_i32_1 = arith.constant 0 : i32
    return %c0_i32, %c0_i32_0 : i32, i32
  }
  func.func @transform_18(%arg0: i32) -> (i32, i32) {
    %c0_i32 = arith.constant 0 : i32
    %c0_i32_0 = arith.constant 0 : i32
    return %arg0, %c0_i32 : i32, i32
  }
}

</mosaic_0001>

<sc_bundles>
// kernel: kernel.5.cloned.1.call-start
scs
__scs_entry_jumppad:
0x0: {  	(pc) =	sbr.rel $0x88, $3  }
0x1: {  	(tag) =	ssettag $0x0;
	lr =	simm.s32 $0x1  }
0x2: {  	[smem:$0x3F91] =	sst lr;
	_ =	strace $0xD0000000  }
0x3: {  	_ = 	snop  }
0x4: {  	_ = 	snop  }
0x5: {  	_ = 	snop  }
0x6: {  	_ = 	snop  }
0x7: {  	_ = 	snop  }
__scs_overlays_trampoline_lowered:
0x8: {  	[smem:$0x3FA0] =	sst s0  }
0x9: {  	[smem:$0x3FA1] =	sst s1  }
0xa: {  	[smem:$0x3FA2] =	sst s2  }
0xb: {  	[smem:$0x3FA3] =	sst s3  }
0xc: {  	[smem:$0x3FA4] =	sst s4  }
0xd: {  	[smem:$0x3FA5] =	sst s5  }
0xe: {  	[smem:$0x3FA6] =	sst s6  }
0xf: {  	[smem:$0x3FA7] =	sst s7  }
0x10: {  	[smem:$0x3FA8] =	sst s8  }
0x11: {  	[smem:$0x3FA9] =	sst s9;
	s0 =	simm.s32 @!p0 $0x0  }
0x12: {  	s1 =	sld [smem:$0x3F8F];
	s0 =	simm.s32 @p0 $0x1  }
0x13: {  	[smem:$0x3FAA] =	sst s0;
	s0 =	simm.s32 @!p1 $0x0  }
0x14: {  	s2 =	sld [smem:$0x3F8E];
	s0 =	simm.s32 @p1 $0x1  }
0x15: {  	[smem:$0x3FAB] =	sst s0;
	s0 =	simm.s32 @!p2 $0x0  }
0x16: {  	s3 =	sld [smem:$0x3FDB];
	s0 =	simm.s32 @p2 $0x1  }
0x17: {  	s4 =	simm.s32 $0x1BF5;
	[smem:$0x3FAD] =	sst s0  }
0x18: {  	s0 =	sld [smem:$0x3F90];
	_ =	swait.ge [sflag:s4], $0x0  }
0x19: {  	s7 =	sld [smem:$0x3F91]  }
0x1a: {  	s8 =	sadd.s32 $0xFFFFE003, lr  }
0x1b: {  	s9 =	sadd.s32 $0xFFFFFEF7, lr;
	s5 =	simm.s32 $0xFFFFFFFF;
	p2 =	slt.u32 s8, $0xFFFFF086  }
0x1c: {  	p1 =	slt.u32 s9, $0xF7A;
	s5 =	simm.s32 @!p2 $0x0  }
0x1d: {  	s5 =	simm.s32 @p1 $0x1;
	p0 =	seq.s32 s7, s2  }
0x1e: {  	s7 =	smul.u32 @!p0 $0xF7A, s2;
	p2 =	seq.s32 @!p0 s5, $0x0  }
0x1f: {  	s9 =	smul.u32 $0xF7A, s1;
	s8 =	simm.s32 @!p0 $0x1BF5;
	p2 =	por !p2, p0  }
0x20: {  	[sflag:s8] =	ssyncset.s32 @!p0 $0xFFFFF086;
	s6 =	sadd.s32 @!p0 s3, s7;
	s7 =	simm.s32 @!p0 $0x108  }
0x21: {  	s3 =	sadd.s32 s3, s9;
	s6 =	sadd.s32 @!p0 $0x88, s6;
	s7 =	simm.s32 @p2 $0x1082  }
0x22: {  	[simem:s7], [sflag:s8] =	dma.local @!p0 [hbm:s6], $0xF7A  }
0x23: {  	s9 =	sor.u32 $0xD0000000, s2;
	s6 =	simm.s32 $0x108;
	_ =	swait.ge @!p0 [sflag:s8], $0x0  }
0x24: {  	s3 =	sadd.s32 $0x88, s3;
	s6 =	simm.s32 @!p1 $0x1082;
	[sflag:s4] =	ssyncset.s32 $0xFFFFF086  }
0x25: {  	[simem:s6], [sflag:s4] =	dma.local [hbm:s3], $0xF7A  }
0x26: {  	[smem:$0x3F91] =	sst s1;
	(tag) =	ssettag s2;
	_ =	strace s9  }
0x27: {  	s1 =	sld [smem:$0x3FA1]  }
0x28: {  	s2 =	sld [smem:$0x3FA2]  }
0x29: {  	s4 =	sld [smem:$0x3FA4]  }
0x2a: {  	p0 =	seq.s32 s5, $0x0;
	s5 =	sld [smem:$0x3FA5]  }
0x2b: {  	s6 =	sld [smem:$0x3FA6]  }
0x2c: {  	s7 =	sld [smem:$0x3FA7]  }
0x2d: {  	s3 =	simm.s32 $0x108;
	s8 =	sld [smem:$0x3FA8]  }
0x2e: {  	s3 =	simm.s32 @!p0 $0x1082;
	s9 =	sld [smem:$0x3FA9]  }
0x2f: {  	lr =	sadd.s32 s0, s3;
	s0 =	sld [smem:$0x3FA0]  }
0x30: {  	s3 =	sld [smem:$0x3FA3]  }
0x31: {  	[smem:$0x3FAC] =	sst s10  }
0x32: {  	s10 =	sld [smem:$0x3FAA];
	_ =	sdelay $0x3  }
0x33: {  	p0 =	seq.s32 s10, $0x1;
	s10 =	sld [smem:$0x3FAC];
	_ =	sdelay $0x3  }
0x34: {  	[smem:$0x3FAC] =	sst s10  }
0x35: {  	s10 =	sld [smem:$0x3FAB];
	_ =	sdelay $0x3  }
0x36: {  	p1 =	seq.s32 s10, $0x1;
	s10 =	sld [smem:$0x3FAC];
	_ =	sdelay $0x3  }
0x37: {  	[smem:$0x3FAC] =	sst s10  }
0x38: {  	s10 =	sld [smem:$0x3FAD]  }
0x39: {  	_ = 	snop;
	(pc) =	sbr.ind lr, $3  }
0x3a: {  	_ = 	snop  }
0x3b: {  	_ = 	snop  }
0x3c: {  	p2 =	seq.s32 s10, $0x1;
	s10 =	sld [smem:$0x3FAC]  }
0x3d: {  	_ =	shalt  }
0x3e: {  	_ =	shalt  }
0x3f: {  	_ =	shalt  }
0x40: {  	_ =	shalt  }
0x41: {  	_ =	shalt  }
0x42: {  	_ =	shalt  }
0x43: {  	_ =	shalt  }
0x44: {  	_ =	shalt  }
0x45: {  	_ =	shalt  }
0x46: {  	_ =	shalt  }
0x47: {  	_ =	shalt  }
0x48: {  	_ =	shalt  }
0x49: {  	_ =	shalt  }
0x4a: {  	_ =	shalt  }
0x4b: {  	_ =	shalt  }
0x4c: {  	_ =	shalt  }
0x4d: {  	_ =	shalt  }
0x4e: {  	_ =	shalt  }
0x4f: {  	_ =	shalt  }
0x50: {  	_ =	shalt  }
0x51: {  	_ =	shalt  }
0x52: {  	_ =	shalt  }
0x53: {  	_ =	shalt  }
0x54: {  	_ =	shalt  }
0x55: {  	_ =	shalt  }
0x56: {  	_ =	shalt  }
0x57: {  	_ =	shalt  }
0x58: {  	_ =	shalt  }
0x59: {  	_ =	shalt  }
0x5a: {  	_ =	shalt  }
0x5b: {  	_ =	shalt  }
0x5c: {  	_ =	shalt  }
0x5d: {  	_ =	shalt  }
0x5e: {  	_ =	shalt  }
0x5f: {  	_ =	shalt  }
0x60: {  	_ =	shalt  }
0x61: {  	_ =	shalt  }
0x62: {  	_ =	shalt  }
0x63: {  	_ =	shalt  }
0x64: {  	_ =	shalt  }
0x65: {  	_ =	shalt  }
0x66: {  	_ =	shalt  }
0x67: {  	_ =	shalt  }
0x68: {  	_ =	shalt  }
0x69: {  	_ =	shalt  }
0x6a: {  	_ =	shalt  }
0x6b: {  	_ =	shalt  }
0x6c: {  	_ =	shalt  }
0x6d: {  	_ =	shalt  }
0x6e: {  	_ =	shalt  }
0x6f: {  	_ =	shalt  }
0x70: {  	_ =	shalt  }
0x71: {  	_ =	shalt  }
0x72: {  	_ =	shalt  }
0x73: {  	_ =	shalt  }
0x74: {  	_ =	shalt  }
0x75: {  	_ =	shalt  }
0x76: {  	_ =	shalt  }
0x77: {  	_ =	shalt  }
0x78: {  	_ =	shalt  }
0x79: {  	_ =	shalt  }
0x7a: {  	_ =	shalt  }
0x7b: {  	_ =	shalt  }
0x7c: {  	_ =	shalt  }
0x7d: {  	_ =	shalt  }
0x7e: {  	_ =	shalt  }
0x7f: {  	_ =	shalt  }
0x80: {  	_ =	shalt  }
0x81: {  	_ =	shalt  }
0x82: {  	_ =	shalt  }
0x83: {  	_ =	shalt  }
0x84: {  	_ =	shalt  }
0x85: {  	_ =	shalt  }
0x86: {  	_ =	shalt  }
0x87: {  	_ =	shalt  }
.Lfunc_end0:
.L_simem_size_0:
called_computation_lowered:
.L_overlay_start_0:
0x88: {  	s2 =	sld [smem:$0x3FD9]  }
0x89: {  	s3 =	sld [smem:$0x3FFE];
	_ =	sdelay $0x1  }
0x8a: {  	s1 =	srdreg.scid  }
0x8b: {  	s0 =	sand.u32 $0x1, s1  }
0x8c: {  	s17 =	sshll.u32 s0, $0xA;
	s2 =	sadd.s32 s3, s2  }
0x8d: {  	s2 =	sadd.s32 s2, s17  }
0x8e: {  	[smem:$0x3FB8] =	sst s2  }
0x8f: {  	_ = 	snop  }
0x90: {  	s2 =	sld [smem:$0x3FC7]  }
0x91: {  	s18 =	sld [smem:$0x3FD0];
	(tm) =	ssettm $0x1  }
0x92: {  	s4 =	sld [smem:$0x3FFB];
	_ =	sdelay $0x3  }
0x93: {  	_ =	strace s4  }
0x94: {  	s4 =	sld [smem:$0x3FFC];
	_ =	sdelay $0x3  }
0x95: {  	_ =	strace s4  }
0x96: {  	s4 =	sld [smem:$0x3FFD];
	_ =	sdelay $0x3  }
0x97: {  	_ =	strace s4  }
0x98: {  	_ =	strace $0x8FFFFFFF  }
0x99: {  	s19 =	sld [smem:$0x3FDB];
	_ =	sdelay $0x1  }
0x9a: {  	s5 =	simm.s32 $_scs_section_size  }
0x9b: {  	s6 =	simm.s32 $_size__tile_overlayer_lowered;
	s7 =	simm.s32 $_tile_overlayer_lowered  }
0x9c: {  	s22 =	simm.s32 $0x1BFF;
	s21 =	sshll.u32 s7, $0x1;
	s4 =	sadd.s32 s5, s19  }
0x9d: {  	s8 =	simm.s32 $0x0;
	s20 =	sshll.u32 s6, $0x1;
	s6 =	sadd.s32 s21, s4  }
0x9e: {  	[timem:s8], [sflag:s22] =	dma.local [hbm:s6], s20  }
0x9f: {  	_ =	swait.ge [sflag:s22], s20  }
0xa0: {  	s5 =	ssub.s32 $0x0, s20;
	[sflag:s22] =	ssyncset.done $0x0  }
0xa1: {  	[sflag:s22] =	ssyncadd.s32 s5;
	_ =	sdelay $0x1  }
0xa2: {  	s23 =	simm.s32 $0x1B8B  }
0xa3: {  	_ =	swait.ge [sflag:s23], $0x1  }
0xa4: {  	[sflag:s23] =	ssyncset.done $0x0  }
0xa5: {  	s25 =	simm.s32 $0x1B8E;
	s24 =	sld [smem:$0x3FFE];
	[sflag:s23] =	ssyncadd.s32 $0xFFFFFFFF  }
0xa6: {  	s26 =	simm.s32 $execute0_lowered;
	[smem:$0x3FD2] =	sst s25  }
0xa7: {  	s6 =	sshll.u32 s26, $0x1;
	_ =	strace $0x80000046;
	[dreg:$0x1] =	wrdreg $0xFFFFFFFF  }
0xa8: {  	s28 =	simm.s32 $_size_execute0_lowered;
	s4 =	sadd.s32 s4, s6;
	[dreg:$0x0] =	wrdreg $0x0  }
0xa9: {  	s6 =	sshll.u32 s28, $0x1;
	[dreg:$0x2] =	wrdreg s4  }
0xaa: {  	[dreg:$0x3] =	wrdreg s6  }
0xab: {  	[dreg:$0x4] =	wrdreg $0xC0  }
0xac: {  	_ =	task [dreg:s8], $0x5FFFF  }
0xad: {  	[dreg:$0x1] =	wrdreg $0xFFFFFFFF  }
0xae: {  	[dreg:$0x0] =	wrdreg $0x60  }
0xaf: {  	[dreg:$0x2] =	wrdreg s24  }
0xb0: {  	[dreg:$0x3] =	wrdreg s2  }
0xb1: {  	[dreg:$0x4] =	wrdreg s18  }
0xb2: {  	[dreg:$0x5] =	wrdreg $0x9  }
0xb3: {  	_ =	task.clear_ibuf [dreg:s8], $0x6FFFF;
	_ =	strace $0x90000046  }
0xb4: {  	s29 =	simm.s32 $0x9;
	_ =	strace $0x80000048  }
0xb5: {  	_ =	swait.ge [sflag:s29], $0x1  }
0xb6: {  	[sflag:s29] =	ssyncadd.s32 $0xFFFFFFFF  }
0xb7: {  	_ =	strace $0x90000048  }
0xb8: {  	_ =	sfence  }
0xb9: {  	s30 =	sld [smem:$0x0];
	_ =	sdelay $0x2  }
0xba: {  	s31 =	sshll.u32 s1, $0xD;
	s1 =	sshrl.u32 s1, $0x2  }
0xbb: {  	s3 =	sand.u32 $0x4000, s31;
	s1 =	sadd.s32 s1, s30  }
0xbc: {  	s0 =	sor.u32 s3, s0;
	s1 =	sshll.u32 s1, $0x11  }
0xbd: {  	s0 =	sor.u32 s1, s0  }
0xbe: {  	s0 =	sadd.s32 $0x8F2B, s0  }
0xbf: {  	[sflag:s0] =	ssyncadd.remote.s32 $0x1  }
0xc0: {  	_ =	sfence.sel $0xFFFF  }
0xc1: {  	[dreg:$0x0] =	wrdreg $0xFFFFFFFF;
	(pc) =	sbr.abs _section_cstart, $3  }
0xc2: {  	[dreg:$0x1] =	wrdreg $0xFFFFFFFF  }
0xc3: {  	_ =	task.clear_ibuf [dreg:s8], $0x2FFFF;
	_ =	strace $0x9FFFFFFF  }
0xc4: {  	(tm) =	ssettm $0x7FFFFFFF  }
0xc5: {  	_ =	shalt  }
tec
execute0_lowered:
.L_overlay_start_1:
0x0: {  	(tag) =	ssettag $0x1  }
0x1: {  	s0 =	rddreg [dreg:$0x0]  }
0x2: {  	s2 =	rddreg [dreg:$0x1]  }
0x3: {  	s1 =	rddreg [dreg:$0x2]  }
0x4: {  	s4 =	srdreg.scid;
	s5 =	stileid.u32;
	s3 =	simm.s32 $0x0  }
0x5: {  	s22 =	simm.s32 $0x480;
	s23 =	simm.s32 $0xE600;
	s24 =	simm.s32 $0x500  }
0x6: {  	s25 =	simm.s32 $0x10600;
	s26 =	simm.s32 $0x580;
	[smem:$0x7FF] =	sst s3  }
0x7: {  	s31 =	simm.s32 $0x12600;
	_ =	strace $0x80000047;
	[dreg:$0xe] =	wrdreg s22  }
0x8: {  	s28 =	simm.s32 $0x4E00;
	s29 =	simm.s32 $0x5600;
	[dreg:$0xf] =	wrdreg s23  }
0x9: {  	s30 =	simm.s32 $0x5E00;
	s4 =	sand.u32 $0x1, s4;
	[dreg:$0x10] =	wrdreg s24  }
0xa: {  	s5 =	sshll.u32 s5, $0x1;
	s9 =	sadd.s32 $0xCC000, s0;
	[dreg:$0x11] =	wrdreg s25  }
0xb: {  	s6 =	sor.u32 s4, s5;
	s4 =	ssub.s32 $0x2, s4;
	[dreg:$0x12] =	wrdreg s26  }
0xc: {  	[dreg:$0x13] =	wrdreg s31;
	s5 =	sshll.u32 s6, $0x7;
	s8 =	smul.u32 $0x6000, s6  }
0xd: {  	s7 =	sshll.u32 s6, $0x6;
	s10 =	smul.u32 $0x30000, s6;
	s6 =	sshll.u32 s6, $0xC  }
0xe: {  	s5 =	sadd.s32 s5, s0;
	s7 =	sadd.s32 s7, s0;
	s0 =	sadd.s32 $0x3800, s0  }
0xf: {  	s25 =	simm.s32 $0x6600;
	s20 =	sadd.s32 s1, s6;
	[dreg:$0x15] =	wrdreg s0  }
0x10: {  	s22 =	simm.s32 $0x2E00;
	s5 =	sadd.s32 $0x2800, s5;
	[dreg:$0xd] =	wrdreg s20  }
0x11: {  	s23 =	simm.s32 $0x3600;
	s7 =	sadd.s32 $0xCB800, s7;
	[dreg:$0x4] =	wrdreg s5  }
0x12: {  	s24 =	simm.s32 $0x3E00;
	s8 =	sadd.s32 s9, s8;
	[dreg:$0x5] =	wrdreg s7  }
0x13: {  	s12 =	sshrl.u32 s10, $0x3;
	s11 =	sadd.s32 $0xC00, s8;
	[dreg:$0x14] =	wrdreg s8  }
0x14: {  	s13 =	sadd.s32 $0x1800, s8;
	s7 =	sadd.s32 s9, s12;
	[dreg:$0x6] =	wrdreg s11  }
0x15: {  	s26 =	simm.s32 $0x4600;
	[dreg:$0x7] =	wrdreg s13;
	s14 =	sadd.s32 $0x2400, s7  }
0x16: {  	s19 =	sshrl.u32 s4, $0x1;
	s15 =	sadd.s32 $0x3000, s7;
	[dreg:$0x8] =	wrdreg s14  }
0x17: {  	s21 =	ssub.s32 s4, s19;
	s16 =	sadd.s32 $0x3C00, s7;
	[dreg:$0x9] =	wrdreg s15  }
0x18: {  	s6 =	sadd.s32 $0x100, s2;
	s17 =	sadd.s32 $0x4800, s7;
	[dreg:$0xa] =	wrdreg s16  }
0x19: {  	v2 =	vlaneseq.u32;
	s8 =	smax.u32 s21, $0x1;
	s18 =	sadd.s32 $0x5400, s7;
	[dreg:$0xb] =	wrdreg s17  }
0x1a: {  	vm0 =	vmmov $0xffff;
	v1 =	vshrl.u32 v2, $0x3;
	s9 =	simm.s32 $0x4;
	s7 =	sadd.s32 $0x200, s2;
	[dreg:$0xc] =	wrdreg s18  }
0x1b: {  	v0 =	vand.u32 $0x7, v2;
	v2 =	vor.u32 $0x8, v2;
	v1 =	vmul.u32 $0x8, v1;
	s14 =	simm.s32 $0x1;
	s15 =	simm.s32 $0x2;
	s16 =	simm.s32 $0x3  }
.LBB2_1:
0x1c: {  	s17 =	rddreg [dreg:$0x4]  }
0x1d: {  	[tilespmem:s3], [sflag:$0x4] =	stream.linear.gather [hbm4b:s17+s3], $0x400, $0x38;
	[tilespmem:$0x14600] =	vst v63  }
0x1e: {  	_ =	swait.ge [sflag:s9], $0x400  }
0x1f: {  	[sflag:s9] =	ssyncset.done $0x0  }
0x20: {  	s19 =	simm.s32 $0x400;
	s21 =	rddreg [dreg:$0x5];
	[sflag:s9] =	ssyncadd.s32 $0xFFFFFC00  }
0x21: {  	[tilespmem:s19], [sflag:$0x4] =	stream.linear.gather [hbm4b:s21+s3], $0x200, $0x38;
	[tilespmem:$0x14600] =	vst v63  }
0x22: {  	_ =	swait.ge [sflag:s9], $0x200  }
0x23: {  	s31 =	rddreg [dreg:$0xe]  }
0x24: {  	s18 =	rddreg [dreg:$0xf]  }
0x25: {  	s1 =	simm.s32 $0xC600;
	[sflag:s9] =	ssyncset.done $0x0;
	s0 =	rddreg [dreg:$0x15]  }
0x26: {  	s21 =	simm.s32 $0x40;
	s4 =	rddreg [dreg:$0x11];
	[sflag:s9] =	ssyncadd.s32 $0xFFFFFE00  }
0x27: {  	[tilespmem:s1], [sflag:$0x3] =	stream.indirect.gather [hbm4b:s0+s21], $0x80, s19, s21, $0xb8;
	[tilespmem:$0x14600] =	vst v63  }
0x28: {  	s5 =	rddreg [dreg:$0x12]  }
0x29: {  	[tilespmem:s18], [sflag:$0x3] =	stream.indirect.gather [hbm4b:s0+s21], $0x80, s31, s21, $0xb8;
	[tilespmem:$0x14600] =	vst v63  }
0x2a: {  	s1 =	rddreg [dreg:$0x10]  }
0x2b: {  	[tilespmem:s4], [sflag:$0x3] =	stream.indirect.gather [hbm4b:s0+s21], $0x80, s1, s21, $0xb8;
	[tilespmem:$0x14600] =	vst v63  }
0x2c: {  	s20 =	rddreg [dreg:$0x13]  }
0x2d: {  	[tilespmem:s20], [sflag:$0x3] =	stream.indirect.gather [hbm4b:s0+s21], $0x80, s5, s21, $0xb8;
	[tilespmem:$0x14600] =	vst v63  }
0x2e: {  	v3 =	vld [tilespmem:$0x0];
	_ =	sdelay $0x4  }
0x2f: {  	v4 =	vshrl.u32 v3, $0x3  }
0x30: {  	v4 =	vmul.u32 $0x30, v4  }
0x31: {  	v3 =	vand.u32 $0x7, v3  }
0x32: {  	v3 =	vor.u32 v3, v4  }
0x33: {  	v4 =	vperm.xlane v3, v0;
	_ =	sdelay $0x1  }
0x34: {  	v4 =	vadd.s32 v1, v4;
	_ =	sdelay $0x3  }
0x35: {  	s1 =	simm.s32 $0x600;
	v3 =	vperm.xlane v3, v2  }
0x36: {  	[tilespmem:s1], [sflag:$0x1] =	stream.indirect_vreg.gather [hbm4b:s2+s3], $0x80, v4, vm0, $0xb8;
	[tilespmem:$0x14600] =	vst v63  }
0x37: {  	s18 =	simm.s32 $0xE00;
	v3 =	vadd.s32 v1, v3  }
0x38: {  	[tilespmem:s18], [sflag:$0x1] =	stream.indirect_vreg.gather [hbm4b:s6+s3], $0x80, v4, vm0, $0xb8;
	[tilespmem:$0x14600] =	vst v63  }
0x39: {  	s19 =	simm.s32 $0x1600  }
0x3a: {  	[tilespmem:s19], [sflag:$0x1] =	stream.indirect_vreg.gather [hbm4b:s7+s3], $0x80, v4, vm0, $0xb8;
	[tilespmem:$0x14600] =	vst v63  }
0x3b: {  	s20 =	simm.s32 $0x1E00  }
0x3c: {  	[tilespmem:s20], [sflag:$0x1] =	stream.indirect_vreg.gather [hbm4b:s2+s3], $0x80, v3, vm0, $0xb8;
	[tilespmem:$0x14600] =	vst v63  }
0x3d: {  	s21 =	simm.s32 $0x2600  }
0x3e: {  	[tilespmem:s21], [sflag:$0x1] =	stream.indirect_vreg.gather [hbm4b:s6+s3], $0x80, v3, vm0, $0xb8;
	[tilespmem:$0x14600] =	vst v63  }
0x3f: {  	_ = 	snop  }
0x40: {  	[tilespmem:s22], [sflag:$0x1] =	stream.indirect_vreg.gather [hbm4b:s7+s3], $0x80, v3, vm0, $0xb8;
	[tilespmem:$0x14600] =	vst v63  }
0x41: {  	v3 =	vld [tilespmem:$0x10];
	_ =	sdelay $0x4  }
0x42: {  	v49 =	vshrl.u32 v3, $0x3  }
0x43: {  	v4 =	vmul.u32 $0x30, v49  }
0x44: {  	v3 =	vand.u32 $0x7, v3  }
0x45: {  	v3 =	vor.u32 v3, v4  }
0x46: {  	v4 =	vperm.xlane v3, v0;
	_ =	sdelay $0x1  }
0x47: {  	v4 =	vadd.s32 v1, v4;
	_ =	sdelay $0x3  }
0x48: {  	v3 =	vperm.xlane v3, v2  }
0x49: {  	[tilespmem:s23], [sflag:$0x1] =	stream.indirect_vreg.gather [hbm4b:s2+s3], $0x80, v4, vm0, $0xb8;
	[tilespmem:$0x14600] =	vst v63  }
0x4a: {  	v3 =	vadd.s32 v1, v3  }
0x4b: {  	[tilespmem:s24], [sflag:$0x1] =	stream.indirect_vreg.gather [hbm4b:s6+s3], $0x80, v4, vm0, $0xb8;
	[tilespmem:$0x14600] =	vst v63  }
0x4c: {  	_ = 	snop  }
0x4d: {  	[tilespmem:s26], [sflag:$0x1] =	stream.indirect_vreg.gather [hbm4b:s7+s3], $0x80, v4, vm0, $0xb8;
	[tilespmem:$0x14600] =	vst v63  }
0x4e: {  	_ = 	snop  }
0x4f: {  	[tilespmem:s28], [sflag:$0x1] =	stream.indirect_vreg.gather [hbm4b:s2+s3], $0x80, v3, vm0, $0xb8;
	[tilespmem:$0x14600] =	vst v63  }
0x50: {  	_ = 	snop  }
0x51: {  	[tilespmem:s29], [sflag:$0x1] =	stream.indirect_vreg.gather [hbm4b:s6+s3], $0x80, v3, vm0, $0xb8;
	[tilespmem:$0x14600] =	vst v63  }
0x52: {  	_ = 	snop  }
0x53: {  	[tilespmem:s30], [sflag:$0x1] =	stream.indirect_vreg.gather [hbm4b:s7+s3], $0x80, v3, vm0, $0xb8;
	[tilespmem:$0x14600] =	vst v63  }
0x54: {  	v3 =	vld [tilespmem:$0x80];
	_ =	sdelay $0x4  }
0x55: {  	v50 =	vshrl.u32 v3, $0x3  }
0x56: {  	v4 =	vmul.u32 $0x30, v50  }
0x57: {  	v3 =	vand.u32 $0x7, v3  }
0x58: {  	v3 =	vor.u32 v3, v4  }
0x59: {  	v4 =	vperm.xlane v3, v0;
	_ =	sdelay $0x1  }
0x5a: {  	v4 =	vadd.s32 v1, v4;
	_ =	sdelay $0x3  }
0x5b: {  	v3 =	vperm.xlane v3, v2  }
0x5c: {  	[tilespmem:s25], [sflag:$0x2] =	stream.indirect_vreg.gather [hbm4b:s2+s3], $0x80, v4, vm0, $0xb8;
	[tilespmem:$0x14600] =	vst v63  }
0x5d: {  	s10 =	simm.s32 $0x6E00;
	v3 =	vadd.s32 v1, v3  }
0x5e: {  	[tilespmem:s10], [sflag:$0x2] =	stream.indirect_vreg.gather [hbm4b:s6+s3], $0x80, v4, vm0, $0xb8;
	[tilespmem:$0x14600] =	vst v63  }
0x5f: {  	s11 =	simm.s32 $0x7600  }
0x60: {  	[tilespmem:s11], [sflag:$0x2] =	stream.indirect_vreg.gather [hbm4b:s7+s3], $0x80, v4, vm0, $0xb8;
	[tilespmem:$0x14600] =	vst v63  }
0x61: {  	s12 =	simm.s32 $0x7E00  }
0x62: {  	[tilespmem:s12], [sflag:$0x2] =	stream.indirect_vreg.gather [hbm4b:s2+s3], $0x80, v3, vm0, $0xb8;
	[tilespmem:$0x14600] =	vst v63  }
0x63: {  	s13 =	simm.s32 $0x8600  }
0x64: {  	[tilespmem:s13], [sflag:$0x2] =	stream.indirect_vreg.gather [hbm4b:s6+s3], $0x80, v3, vm0, $0xb8;
	[tilespmem:$0x14600] =	vst v63  }
0x65: {  	s17 =	simm.s32 $0x8E00  }
0x66: {  	[tilespmem:s17], [sflag:$0x2] =	stream.indirect_vreg.gather [hbm4b:s7+s3], $0x80, v3, vm0, $0xb8;
	[tilespmem:$0x14600] =	vst v63  }
0x67: {  	v3 =	vld [tilespmem:$0x90];
	_ =	sdelay $0x4  }
0x68: {  	v51 =	vshrl.u32 v3, $0x3  }
0x69: {  	v4 =	vmul.u32 $0x30, v51  }
0x6a: {  	v3 =	vand.u32 $0x7, v3  }
0x6b: {  	v3 =	vor.u32 v3, v4  }
0x6c: {  	v4 =	vperm.xlane v3, v0;
	_ =	sdelay $0x1  }
0x6d: {  	v4 =	vadd.s32 v1, v4;
	_ =	sdelay $0x3  }
0x6e: {  	s31 =	simm.s32 $0x9600;
	v3 =	vperm.xlane v3, v2  }
0x6f: {  	[tilespmem:s31], [sflag:$0x2] =	stream.indirect_vreg.gather [hbm4b:s2+s3], $0x80, v4, vm0, $0xb8;
	[tilespmem:$0x14600] =	vst v63  }
0x70: {  	s5 =	simm.s32 $0x9E00;
	v3 =	vadd.s32 v1, v3  }
0x71: {  	[tilespmem:s5], [sflag:$0x2] =	stream.indirect_vreg.gather [hbm4b:s6+s3], $0x80, v4, vm0, $0xb8;
	[tilespmem:$0x14600] =	vst v63  }
0x72: {  	s10 =	simm.s32 $0xA600  }
0x73: {  	[tilespmem:s10], [sflag:$0x2] =	stream.indirect_vreg.gather [hbm4b:s7+s3], $0x80, v4, vm0, $0xb8;
	[tilespmem:$0x14600] =	vst v63  }
0x74: {  	s12 =	simm.s32 $0xAE00  }
0x75: {  	[tilespmem:s12], [sflag:$0x2] =	stream.indirect_vreg.gather [hbm4b:s2+s3], $0x80, v3, vm0, $0xb8;
	[tilespmem:$0x14600] =	vst v63  }
0x76: {  	s13 =	simm.s32 $0xB600  }
0x77: {  	[tilespmem:s13], [sflag:$0x2] =	stream.indirect_vreg.gather [hbm4b:s6+s3], $0x80, v3, vm0, $0xb8;
	[tilespmem:$0x14600] =	vst v63  }
0x78: {  	s31 =	simm.s32 $0xBE00  }
0x79: {  	[tilespmem:s31], [sflag:$0x2] =	stream.indirect_vreg.gather [hbm4b:s7+s3], $0x80, v3, vm0, $0xb8;
	[tilespmem:$0x14600] =	vst v63  }
0x7a: {  	_ =	swait.ge [sflag:s14], $0x6000  }
0x7b: {  	[sflag:s14] =	ssyncset.done $0x0  }
0x7c: {  	s5 =	rddreg [dreg:$0x14];
	[sflag:s14] =	ssyncadd.s32 $0xFFFFA000  }
0x7d: {  	[hbm4b:s5+s3] =	stream.linear.scatter [tilespmem:s1], [sflag:$0x4], $0x6000, $0x38;
	[tilespmem:$0x14600] =	vst v63  }
0x7e: {  	_ =	swait.ge [sflag:s9], $0x6000  }
0x7f: {  	[sflag:s9] =	ssyncset.done $0x0  }
0x80: {  	[sflag:s9] =	ssyncadd.s32 $0xFFFFA000  }
0x81: {  	v3 =	vld [tilespmem:$0x100];
	_ =	sdelay $0x4  }
0x82: {  	v52 =	vshrl.u32 v3, $0x3  }
0x83: {  	v4 =	vmul.u32 $0x30, v52  }
0x84: {  	v3 =	vand.u32 $0x7, v3  }
0x85: {  	v3 =	vor.u32 v3, v4  }
0x86: {  	v4 =	vperm.xlane v3, v0;
	_ =	sdelay $0x1  }
0x87: {  	v4 =	vadd.s32 v1, v4;
	_ =	sdelay $0x3  }
0x88: {  	v3 =	vperm.xlane v3, v2  }
0x89: {  	[tilespmem:s1], [sflag:$0x1] =	stream.indirect_vreg.gather [hbm4b:s2+s3], $0x80, v4, vm0, $0xb8;
	[tilespmem:$0x14600] =	vst v63  }
0x8a: {  	v3 =	vadd.s32 v1, v3  }
0x8b: {  	[tilespmem:s18], [sflag:$0x1] =	stream.indirect_vreg.gather [hbm4b:s6+s3], $0x80, v4, vm0, $0xb8;
	[tilespmem:$0x14600] =	vst v63  }
0x8c: {  	_ = 	snop  }
0x8d: {  	[tilespmem:s19], [sflag:$0x1] =	stream.indirect_vreg.gather [hbm4b:s7+s3], $0x80, v4, vm0, $0xb8;
	[tilespmem:$0x14600] =	vst v63  }
0x8e: {  	_ = 	snop  }
0x8f: {  	[tilespmem:s20], [sflag:$0x1] =	stream.indirect_vreg.gather [hbm4b:s2+s3], $0x80, v3, vm0, $0xb8;
	[tilespmem:$0x14600] =	vst v63  }
0x90: {  	_ = 	snop  }
0x91: {  	[tilespmem:s21], [sflag:$0x1] =	stream.indirect_vreg.gather [hbm4b:s6+s3], $0x80, v3, vm0, $0xb8;
	[tilespmem:$0x14600] =	vst v63  }
0x92: {  	_ = 	snop  }
0x93: {  	[tilespmem:s22], [sflag:$0x1] =	stream.indirect_vreg.gather [hbm4b:s7+s3], $0x80, v3, vm0, $0xb8;
	[tilespmem:$0x14600] =	vst v63  }
0x94: {  	v3 =	vld [tilespmem:$0x110];
	_ =	sdelay $0x4  }
0x95: {  	v53 =	vshrl.u32 v3, $0x3  }
0x96: {  	v4 =	vmul.u32 $0x30, v53  }
0x97: {  	v3 =	vand.u32 $0x7, v3  }
0x98: {  	v3 =	vor.u32 v3, v4  }
0x99: {  	v4 =	vperm.xlane v3, v0;
	_ =	sdelay $0x1  }
0x9a: {  	v4 =	vadd.s32 v1, v4;
	_ =	sdelay $0x3  }
0x9b: {  	v3 =	vperm.xlane v3, v2  }
0x9c: {  	[tilespmem:s23], [sflag:$0x1] =	stream.indirect_vreg.gather [hbm4b:s2+s3], $0x80, v4, vm0, $0xb8;
	[tilespmem:$0x14600] =	vst v63  }
0x9d: {  	v3 =	vadd.s32 v1, v3  }
0x9e: {  	[tilespmem:s24], [sflag:$0x1] =	stream.indirect_vreg.gather [hbm4b:s6+s3], $0x80, v4, vm0, $0xb8;
	[tilespmem:$0x14600] =	vst v63  }
0x9f: {  	_ = 	snop  }
0xa0: {  	[tilespmem:s26], [sflag:$0x1] =	stream.indirect_vreg.gather [hbm4b:s7+s3], $0x80, v4, vm0, $0xb8;
	[tilespmem:$0x14600] =	vst v63  }
0xa1: {  	_ = 	snop  }
0xa2: {  	[tilespmem:s28], [sflag:$0x1] =	stream.indirect_vreg.gather [hbm4b:s2+s3], $0x80, v3, vm0, $0xb8;
	[tilespmem:$0x14600] =	vst v63  }
0xa3: {  	_ = 	snop  }
0xa4: {  	[tilespmem:s29], [sflag:$0x1] =	stream.indirect_vreg.gather [hbm4b:s6+s3], $0x80, v3, vm0, $0xb8;
	[tilespmem:$0x14600] =	vst v63  }
0xa5: {  	_ = 	snop  }
0xa6: {  	[tilespmem:s30], [sflag:$0x1] =	stream.indirect_vreg.gather [hbm4b:s7+s3], $0x80, v3, vm0, $0xb8;
	[tilespmem:$0x14600] =	vst v63  }
0xa7: {  	_ =	swait.ge [sflag:s15], $0x6000  }
0xa8: {  	[sflag:s15] =	ssyncset.done $0x0  }
0xa9: {  	s13 =	rddreg [dreg:$0x6];
	[sflag:s15] =	ssyncadd.s32 $0xFFFFA000  }
0xaa: {  	[hbm4b:s13+s3] =	stream.linear.scatter [tilespmem:s25], [sflag:$0x4], $0x6000, $0x38;
	[tilespmem:$0x14600] =	vst v63  }
0xab: {  	_ =	swait.ge [sflag:s9], $0x6000  }
0xac: {  	[sflag:s9] =	ssyncset.done $0x0  }
0xad: {  	[sflag:s9] =	ssyncadd.s32 $0xFFFFA000  }
0xae: {  	v3 =	vld [tilespmem:$0x180];
	_ =	sdelay $0x4  }
0xaf: {  	v54 =	vshrl.u32 v3, $0x3  }
0xb0: {  	v4 =	vmul.u32 $0x30, v54  }
0xb1: {  	v3 =	vand.u32 $0x7, v3  }
0xb2: {  	v3 =	vor.u32 v3, v4  }
0xb3: {  	v4 =	vperm.xlane v3, v0;
	_ =	sdelay $0x1  }
0xb4: {  	v4 =	vadd.s32 v1, v4;
	_ =	sdelay $0x3  }
0xb5: {  	v3 =	vperm.xlane v3, v2  }
0xb6: {  	[tilespmem:s25], [sflag:$0x2] =	stream.indirect_vreg.gather [hbm4b:s2+s3], $0x80, v4, vm0, $0xb8;
	[tilespmem:$0x14600] =	vst v63  }
0xb7: {  	s4 =	simm.s32 $0x6E00;
	v3 =	vadd.s32 v1, v3  }
0xb8: {  	[tilespmem:s4], [sflag:$0x2] =	stream.indirect_vreg.gather [hbm4b:s6+s3], $0x80, v4, vm0, $0xb8;
	[tilespmem:$0x14600] =	vst v63  }
0xb9: {  	s13 =	simm.s32 $0x7600  }
0xba: {  	[tilespmem:s13], [sflag:$0x2] =	stream.indirect_vreg.gather [hbm4b:s7+s3], $0x80, v4, vm0, $0xb8;
	[tilespmem:$0x14600] =	vst v63  }
0xbb: {  	s4 =	simm.s32 $0x7E00  }
0xbc: {  	[tilespmem:s4], [sflag:$0x2] =	stream.indirect_vreg.gather [hbm4b:s2+s3], $0x80, v3, vm0, $0xb8;
	[tilespmem:$0x14600] =	vst v63  }
0xbd: {  	s5 =	simm.s32 $0x8600  }
0xbe: {  	[tilespmem:s5], [sflag:$0x2] =	stream.indirect_vreg.gather [hbm4b:s6+s3], $0x80, v3, vm0, $0xb8;
	[tilespmem:$0x14600] =	vst v63  }
0xbf: {  	s11 =	simm.s32 $0x8E00  }
0xc0: {  	[tilespmem:s11], [sflag:$0x2] =	stream.indirect_vreg.gather [hbm4b:s7+s3], $0x80, v3, vm0, $0xb8;
	[tilespmem:$0x14600] =	vst v63  }
0xc1: {  	v3 =	vld [tilespmem:$0x190];
	_ =	sdelay $0x4  }
0xc2: {  	v55 =	vshrl.u32 v3, $0x3  }
0xc3: {  	v4 =	vmul.u32 $0x30, v55  }
0xc4: {  	v3 =	vand.u32 $0x7, v3  }
0xc5: {  	v3 =	vor.u32 v3, v4  }
0xc6: {  	v4 =	vperm.xlane v3, v0;
	_ =	sdelay $0x1  }
0xc7: {  	v4 =	vadd.s32 v1, v4;
	_ =	sdelay $0x3  }
0xc8: {  	s31 =	simm.s32 $0x9600;
	v3 =	vperm.xlane v3, v2  }
0xc9: {  	[tilespmem:s31], [sflag:$0x2] =	stream.indirect_vreg.gather [hbm4b:s2+s3], $0x80, v4, vm0, $0xb8;
	[tilespmem:$0x14600] =	vst v63  }
0xca: {  	s11 =	simm.s32 $0x9E00;
	v3 =	vadd.s32 v1, v3  }
0xcb: {  	[tilespmem:s11], [sflag:$0x2] =	stream.indirect_vreg.gather [hbm4b:s6+s3], $0x80, v4, vm0, $0xb8;
	[tilespmem:$0x14600] =	vst v63  }
0xcc: {  	s10 =	simm.s32 $0xA600  }
0xcd: {  	[tilespmem:s10], [sflag:$0x2] =	stream.indirect_vreg.gather [hbm4b:s7+s3], $0x80, v4, vm0, $0xb8;
	[tilespmem:$0x14600] =	vst v63  }
0xce: {  	s0 =	simm.s32 $0xAE00  }
0xcf: {  	[tilespmem:s0], [sflag:$0x2] =	stream.indirect_vreg.gather [hbm4b:s2+s3], $0x80, v3, vm0, $0xb8;
	[tilespmem:$0x14600] =	vst v63  }
0xd0: {  	s17 =	simm.s32 $0xB600  }
0xd1: {  	[tilespmem:s17], [sflag:$0x2] =	stream.indirect_vreg.gather [hbm4b:s6+s3], $0x80, v3, vm0, $0xb8;
	[tilespmem:$0x14600] =	vst v63  }
0xd2: {  	s12 =	simm.s32 $0xBE00  }
0xd3: {  	[tilespmem:s12], [sflag:$0x2] =	stream.indirect_vreg.gather [hbm4b:s7+s3], $0x80, v3, vm0, $0xb8;
	[tilespmem:$0x14600] =	vst v63  }
0xd4: {  	_ =	swait.ge [sflag:s14], $0x6000  }
0xd5: {  	[sflag:s14] =	ssyncset.done $0x0  }
0xd6: {  	s0 =	rddreg [dreg:$0x7];
	[sflag:s14] =	ssyncadd.s32 $0xFFFFA000  }
0xd7: {  	[hbm4b:s0+s3] =	stream.linear.scatter [tilespmem:s1], [sflag:$0x4], $0x6000, $0x38;
	[tilespmem:$0x14600] =	vst v63  }
0xd8: {  	_ =	swait.ge [sflag:s9], $0x6000  }
0xd9: {  	[sflag:s9] =	ssyncset.done $0x0  }
0xda: {  	[sflag:s9] =	ssyncadd.s32 $0xFFFFA000  }
0xdb: {  	v3 =	vld [tilespmem:$0x200];
	_ =	sdelay $0x4  }
0xdc: {  	v56 =	vshrl.u32 v3, $0x3  }
0xdd: {  	v4 =	vmul.u32 $0x30, v56  }
0xde: {  	v3 =	vand.u32 $0x7, v3  }
0xdf: {  	v3 =	vor.u32 v3, v4  }
0xe0: {  	v4 =	vperm.xlane v3, v0;
	_ =	sdelay $0x1  }
0xe1: {  	v4 =	vadd.s32 v1, v4;
	_ =	sdelay $0x3  }
0xe2: {  	v3 =	vperm.xlane v3, v2  }
0xe3: {  	[tilespmem:s1], [sflag:$0x1] =	stream.indirect_vreg.gather [hbm4b:s2+s3], $0x80, v4, vm0, $0xb8;
	[tilespmem:$0x14600] =	vst v63  }
0xe4: {  	v3 =	vadd.s32 v1, v3  }
0xe5: {  	[tilespmem:s18], [sflag:$0x1] =	stream.indirect_vreg.gather [hbm4b:s6+s3], $0x80, v4, vm0, $0xb8;
	[tilespmem:$0x14600] =	vst v63  }
0xe6: {  	_ = 	snop  }
0xe7: {  	[tilespmem:s19], [sflag:$0x1] =	stream.indirect_vreg.gather [hbm4b:s7+s3], $0x80, v4, vm0, $0xb8;
	[tilespmem:$0x14600] =	vst v63  }
0xe8: {  	_ = 	snop  }
0xe9: {  	[tilespmem:s20], [sflag:$0x1] =	stream.indirect_vreg.gather [hbm4b:s2+s3], $0x80, v3, vm0, $0xb8;
	[tilespmem:$0x14600] =	vst v63  }
0xea: {  	_ = 	snop  }
0xeb: {  	[tilespmem:s21], [sflag:$0x1] =	stream.indirect_vreg.gather [hbm4b:s6+s3], $0x80, v3, vm0, $0xb8;
	[tilespmem:$0x14600] =	vst v63  }
0xec: {  	_ = 	snop  }
0xed: {  	[tilespmem:s22], [sflag:$0x1] =	stream.indirect_vreg.gather [hbm4b:s7+s3], $0x80, v3, vm0, $0xb8;
	[tilespmem:$0x14600] =	vst v63  }
0xee: {  	v3 =	vld [tilespmem:$0x210];
	_ =	sdelay $0x4  }
0xef: {  	v57 =	vshrl.u32 v3, $0x3  }
0xf0: {  	v4 =	vmul.u32 $0x30, v57  }
0xf1: {  	v3 =	vand.u32 $0x7, v3  }
0xf2: {  	v3 =	vor.u32 v3, v4  }
0xf3: {  	v4 =	vperm.xlane v3, v0;
	_ =	sdelay $0x1  }
0xf4: {  	v4 =	vadd.s32 v1, v4;
	_ =	sdelay $0x3  }
0xf5: {  	v3 =	vperm.xlane v3, v2  }
0xf6: {  	[tilespmem:s23], [sflag:$0x1] =	stream.indirect_vreg.gather [hbm4b:s2+s3], $0x80, v4, vm0, $0xb8;
	[tilespmem:$0x14600] =	vst v63  }
0xf7: {  	v3 =	vadd.s32 v1, v3  }
0xf8: {  	[tilespmem:s24], [sflag:$0x1] =	stream.indirect_vreg.gather [hbm4b:s6+s3], $0x80, v4, vm0, $0xb8;
	[tilespmem:$0x14600] =	vst v63  }
0xf9: {  	_ = 	snop  }
0xfa: {  	[tilespmem:s26], [sflag:$0x1] =	stream.indirect_vreg.gather [hbm4b:s7+s3], $0x80, v4, vm0, $0xb8;
	[tilespmem:$0x14600] =	vst v63  }
0xfb: {  	_ = 	snop  }
0xfc: {  	[tilespmem:s28], [sflag:$0x1] =	stream.indirect_vreg.gather [hbm4b:s2+s3], $0x80, v3, vm0, $0xb8;
	[tilespmem:$0x14600] =	vst v63  }
0xfd: {  	_ = 	snop  }
0xfe: {  	[tilespmem:s29], [sflag:$0x1] =	stream.indirect_vreg.gather [hbm4b:s6+s3], $0x80, v3, vm0, $0xb8;
	[tilespmem:$0x14600] =	vst v63  }
0xff: {  	_ = 	snop  }
0x100: {  	[tilespmem:s30], [sflag:$0x1] =	stream.indirect_vreg.gather [hbm4b:s7+s3], $0x80, v3, vm0, $0xb8;
	[tilespmem:$0x14600] =	vst v63  }
0x101: {  	_ =	swait.ge [sflag:s15], $0x6000  }
0x102: {  	[sflag:s15] =	ssyncset.done $0x0  }
0x103: {  	s10 =	rddreg [dreg:$0x8];
	[sflag:s15] =	ssyncadd.s32 $0xFFFFA000  }
0x104: {  	[hbm4b:s10+s3] =	stream.linear.scatter [tilespmem:s25], [sflag:$0x4], $0x6000, $0x38;
	[tilespmem:$0x14600] =	vst v63  }
0x105: {  	_ =	swait.ge [sflag:s9], $0x6000  }
0x106: {  	[sflag:s9] =	ssyncset.done $0x0  }
0x107: {  	[sflag:s9] =	ssyncadd.s32 $0xFFFFA000  }
0x108: {  	v3 =	vld [tilespmem:$0x280];
	_ =	sdelay $0x4  }
0x109: {  	v58 =	vshrl.u32 v3, $0x3  }
0x10a: {  	v4 =	vmul.u32 $0x30, v58  }
0x10b: {  	v3 =	vand.u32 $0x7, v3  }
0x10c: {  	v3 =	vor.u32 v3, v4  }
0x10d: {  	v4 =	vperm.xlane v3, v0;
	_ =	sdelay $0x1  }
0x10e: {  	v4 =	vadd.s32 v1, v4;
	_ =	sdelay $0x3  }
0x10f: {  	v3 =	vperm.xlane v3, v2  }
0x110: {  	[tilespmem:s25], [sflag:$0x2] =	stream.indirect_vreg.gather [hbm4b:s2+s3], $0x80, v4, vm0, $0xb8;
	[tilespmem:$0x14600] =	vst v63  }
0x111: {  	s12 =	simm.s32 $0x6E00;
	v3 =	vadd.s32 v1, v3  }
0x112: {  	[tilespmem:s12], [sflag:$0x2] =	stream.indirect_vreg.gather [hbm4b:s6+s3], $0x80, v4, vm0, $0xb8;
	[tilespmem:$0x14600] =	vst v63  }
0x113: {  	_ = 	snop  }
0x114: {  	[tilespmem:s13], [sflag:$0x2] =	stream.indirect_vreg.gather [hbm4b:s7+s3], $0x80, v4, vm0, $0xb8;
	[tilespmem:$0x14600] =	vst v63  }
0x115: {  	_ = 	snop  }
0x116: {  	[tilespmem:s4], [sflag:$0x2] =	stream.indirect_vreg.gather [hbm4b:s2+s3], $0x80, v3, vm0, $0xb8;
	[tilespmem:$0x14600] =	vst v63  }
0x117: {  	_ = 	snop  }
0x118: {  	[tilespmem:s5], [sflag:$0x2] =	stream.indirect_vreg.gather [hbm4b:s6+s3], $0x80, v3, vm0, $0xb8;
	[tilespmem:$0x14600] =	vst v63  }
0x119: {  	s17 =	simm.s32 $0x8E00  }
0x11a: {  	[tilespmem:s17], [sflag:$0x2] =	stream.indirect_vreg.gather [hbm4b:s7+s3], $0x80, v3, vm0, $0xb8;
	[tilespmem:$0x14600] =	vst v63  }
0x11b: {  	v3 =	vld [tilespmem:$0x290];
	_ =	sdelay $0x4  }
0x11c: {  	v59 =	vshrl.u32 v3, $0x3  }
0x11d: {  	v4 =	vmul.u32 $0x30, v59  }
0x11e: {  	v3 =	vand.u32 $0x7, v3  }
0x11f: {  	v3 =	vor.u32 v3, v4  }
0x120: {  	v4 =	vperm.xlane v3, v0;
	_ =	sdelay $0x1  }
0x121: {  	v4 =	vadd.s32 v1, v4;
	_ =	sdelay $0x3  }
0x122: {  	v3 =	vperm.xlane v3, v2  }
0x123: {  	[tilespmem:s31], [sflag:$0x2] =	stream.indirect_vreg.gather [hbm4b:s2+s3], $0x80, v4, vm0, $0xb8;
	[tilespmem:$0x14600] =	vst v63  }
0x124: {  	v3 =	vadd.s32 v1, v3  }
0x125: {  	[tilespmem:s11], [sflag:$0x2] =	stream.indirect_vreg.gather [hbm4b:s6+s3], $0x80, v4, vm0, $0xb8;
	[tilespmem:$0x14600] =	vst v63  }
0x126: {  	s31 =	simm.s32 $0xA600  }
0x127: {  	[tilespmem:s31], [sflag:$0x2] =	stream.indirect_vreg.gather [hbm4b:s7+s3], $0x80, v4, vm0, $0xb8;
	[tilespmem:$0x14600] =	vst v63  }
0x128: {  	s17 =	simm.s32 $0xAE00  }
0x129: {  	[tilespmem:s17], [sflag:$0x2] =	stream.indirect_vreg.gather [hbm4b:s2+s3], $0x80, v3, vm0, $0xb8;
	[tilespmem:$0x14600] =	vst v63  }
0x12a: {  	s31 =	simm.s32 $0xB600  }
0x12b: {  	[tilespmem:s31], [sflag:$0x2] =	stream.indirect_vreg.gather [hbm4b:s6+s3], $0x80, v3, vm0, $0xb8;
	[tilespmem:$0x14600] =	vst v63  }
0x12c: {  	s17 =	simm.s32 $0xBE00  }
0x12d: {  	[tilespmem:s17], [sflag:$0x2] =	stream.indirect_vreg.gather [hbm4b:s7+s3], $0x80, v3, vm0, $0xb8;
	[tilespmem:$0x14600] =	vst v63  }
0x12e: {  	_ =	swait.ge [sflag:s14], $0x6000  }
0x12f: {  	[sflag:s14] =	ssyncset.done $0x0  }
0x130: {  	s17 =	rddreg [dreg:$0x9];
	[sflag:s14] =	ssyncadd.s32 $0xFFFFA000  }
0x131: {  	[hbm4b:s17+s3] =	stream.linear.scatter [tilespmem:s1], [sflag:$0x4], $0x6000, $0x38;
	[tilespmem:$0x14600] =	vst v63  }
0x132: {  	_ =	swait.ge [sflag:s9], $0x6000  }
0x133: {  	[sflag:s9] =	ssyncset.done $0x0  }
0x134: {  	[sflag:s9] =	ssyncadd.s32 $0xFFFFA000  }
0x135: {  	v3 =	vld [tilespmem:$0x300];
	_ =	sdelay $0x4  }
0x136: {  	v60 =	vshrl.u32 v3, $0x3  }
0x137: {  	v4 =	vmul.u32 $0x30, v60  }
0x138: {  	v3 =	vand.u32 $0x7, v3  }
0x139: {  	v3 =	vor.u32 v3, v4  }
0x13a: {  	v4 =	vperm.xlane v3, v0;
	_ =	sdelay $0x1  }
0x13b: {  	v4 =	vadd.s32 v1, v4;
	_ =	sdelay $0x3  }
0x13c: {  	v3 =	vperm.xlane v3, v2  }
0x13d: {  	[tilespmem:s1], [sflag:$0x1] =	stream.indirect_vreg.gather [hbm4b:s2+s3], $0x80, v4, vm0, $0xb8;
	[tilespmem:$0x14600] =	vst v63  }
0x13e: {  	v3 =	vadd.s32 v1, v3  }
0x13f: {  	[tilespmem:s18], [sflag:$0x1] =	stream.indirect_vreg.gather [hbm4b:s6+s3], $0x80, v4, vm0, $0xb8;
	[tilespmem:$0x14600] =	vst v63  }
0x140: {  	_ = 	snop  }
0x141: {  	[tilespmem:s19], [sflag:$0x1] =	stream.indirect_vreg.gather [hbm4b:s7+s3], $0x80, v4, vm0, $0xb8;
	[tilespmem:$0x14600] =	vst v63  }
0x142: {  	_ = 	snop  }
0x143: {  	[tilespmem:s20], [sflag:$0x1] =	stream.indirect_vreg.gather [hbm4b:s2+s3], $0x80, v3, vm0, $0xb8;
	[tilespmem:$0x14600] =	vst v63  }
0x144: {  	_ = 	snop  }
0x145: {  	[tilespmem:s21], [sflag:$0x1] =	stream.indirect_vreg.gather [hbm4b:s6+s3], $0x80, v3, vm0, $0xb8;
	[tilespmem:$0x14600] =	vst v63  }
0x146: {  	_ = 	snop  }
0x147: {  	[tilespmem:s22], [sflag:$0x1] =	stream.indirect_vreg.gather [hbm4b:s7+s3], $0x80, v3, vm0, $0xb8;
	[tilespmem:$0x14600] =	vst v63  }
0x148: {  	v3 =	vld [tilespmem:$0x310];
	_ =	sdelay $0x4  }
0x149: {  	v61 =	vshrl.u32 v3, $0x3  }
0x14a: {  	v4 =	vmul.u32 $0x30, v61  }
0x14b: {  	v3 =	vand.u32 $0x7, v3  }
0x14c: {  	v3 =	vor.u32 v3, v4  }
0x14d: {  	v4 =	vperm.xlane v3, v0;
	_ =	sdelay $0x1  }
0x14e: {  	v4 =	vadd.s32 v1, v4;
	_ =	sdelay $0x3  }
0x14f: {  	v3 =	vperm.xlane v3, v2  }
0x150: {  	[tilespmem:s23], [sflag:$0x1] =	stream.indirect_vreg.gather [hbm4b:s2+s3], $0x80, v4, vm0, $0xb8;
	[tilespmem:$0x14600] =	vst v63  }
0x151: {  	v3 =	vadd.s32 v1, v3  }
0x152: {  	[tilespmem:s24], [sflag:$0x1] =	stream.indirect_vreg.gather [hbm4b:s6+s3], $0x80, v4, vm0, $0xb8;
	[tilespmem:$0x14600] =	vst v63  }
0x153: {  	_ = 	snop  }
0x154: {  	[tilespmem:s26], [sflag:$0x1] =	stream.indirect_vreg.gather [hbm4b:s7+s3], $0x80, v4, vm0, $0xb8;
	[tilespmem:$0x14600] =	vst v63  }
0x155: {  	_ = 	snop  }
0x156: {  	[tilespmem:s28], [sflag:$0x1] =	stream.indirect_vreg.gather [hbm4b:s2+s3], $0x80, v3, vm0, $0xb8;
	[tilespmem:$0x14600] =	vst v63  }
0x157: {  	_ = 	snop  }
0x158: {  	[tilespmem:s29], [sflag:$0x1] =	stream.indirect_vreg.gather [hbm4b:s6+s3], $0x80, v3, vm0, $0xb8;
	[tilespmem:$0x14600] =	vst v63  }
0x159: {  	_ = 	snop  }
0x15a: {  	[tilespmem:s30], [sflag:$0x1] =	stream.indirect_vreg.gather [hbm4b:s7+s3], $0x80, v3, vm0, $0xb8;
	[tilespmem:$0x14600] =	vst v63  }
0x15b: {  	_ =	swait.ge [sflag:s15], $0x6000  }
0x15c: {  	[sflag:s15] =	ssyncset.done $0x0  }
0x15d: {  	s21 =	rddreg [dreg:$0xa];
	[sflag:s15] =	ssyncadd.s32 $0xFFFFA000  }
0x15e: {  	[hbm4b:s21+s3] =	stream.linear.scatter [tilespmem:s25], [sflag:$0x4], $0x6000, $0x38;
	[tilespmem:$0x14600] =	vst v63  }
0x15f: {  	_ =	swait.ge [sflag:s9], $0x6000  }
0x160: {  	[sflag:s9] =	ssyncset.done $0x0  }
0x161: {  	[sflag:s9] =	ssyncadd.s32 $0xFFFFA000  }
0x162: {  	v3 =	vld [tilespmem:$0x380];
	_ =	sdelay $0x4  }
0x163: {  	v62 =	vshrl.u32 v3, $0x3  }
0x164: {  	v4 =	vmul.u32 $0x30, v62  }
0x165: {  	v3 =	vand.u32 $0x7, v3  }
0x166: {  	v3 =	vor.u32 v3, v4  }
0x167: {  	v4 =	vperm.xlane v3, v0;
	_ =	sdelay $0x1  }
0x168: {  	v4 =	vadd.s32 v1, v4;
	_ =	sdelay $0x3  }
0x169: {  	v3 =	vperm.xlane v3, v2  }
0x16a: {  	[tilespmem:s25], [sflag:$0x2] =	stream.indirect_vreg.gather [hbm4b:s2+s3], $0x80, v4, vm0, $0xb8;
	[tilespmem:$0x14600] =	vst v63  }
0x16b: {  	s0 =	simm.s32 $0x6E00;
	v3 =	vadd.s32 v1, v3  }
0x16c: {  	[tilespmem:s0], [sflag:$0x2] =	stream.indirect_vreg.gather [hbm4b:s6+s3], $0x80, v4, vm0, $0xb8;
	[tilespmem:$0x14600] =	vst v63  }
0x16d: {  	s13 =	simm.s32 $0x7600  }
0x16e: {  	[tilespmem:s13], [sflag:$0x2] =	stream.indirect_vreg.gather [hbm4b:s7+s3], $0x80, v4, vm0, $0xb8;
	[tilespmem:$0x14600] =	vst v63  }
0x16f: {  	s4 =	simm.s32 $0x7E00  }
0x170: {  	[tilespmem:s4], [sflag:$0x2] =	stream.indirect_vreg.gather [hbm4b:s2+s3], $0x80, v3, vm0, $0xb8;
	[tilespmem:$0x14600] =	vst v63  }
0x171: {  	s5 =	simm.s32 $0x8600  }
0x172: {  	[tilespmem:s5], [sflag:$0x2] =	stream.indirect_vreg.gather [hbm4b:s6+s3], $0x80, v3, vm0, $0xb8;
	[tilespmem:$0x14600] =	vst v63  }
0x173: {  	s13 =	simm.s32 $0x8E00  }
0x174: {  	[tilespmem:s13], [sflag:$0x2] =	stream.indirect_vreg.gather [hbm4b:s7+s3], $0x80, v3, vm0, $0xb8;
	[tilespmem:$0x14600] =	vst v63  }
0x175: {  	v3 =	vld [tilespmem:$0x390];
	_ =	sdelay $0x4  }
0x176: {  	v63 =	vshrl.u32 v3, $0x3  }
0x177: {  	v4 =	vmul.u32 $0x30, v63  }
0x178: {  	v3 =	vand.u32 $0x7, v3  }
0x179: {  	v3 =	vor.u32 v3, v4  }
0x17a: {  	v4 =	vperm.xlane v3, v0;
	_ =	sdelay $0x1  }
0x17b: {  	v4 =	vadd.s32 v1, v4;
	_ =	sdelay $0x3  }
0x17c: {  	s12 =	simm.s32 $0x9600;
	v3 =	vperm.xlane v3, v2  }
0x17d: {  	[tilespmem:s12], [sflag:$0x2] =	stream.indirect_vreg.gather [hbm4b:s2+s3], $0x80, v4, vm0, $0xb8;
	[tilespmem:$0x14600] =	vst v63  }
0x17e: {  	s10 =	simm.s32 $0x9E00;
	v3 =	vadd.s32 v1, v3  }
0x17f: {  	[tilespmem:s10], [sflag:$0x2] =	stream.indirect_vreg.gather [hbm4b:s6+s3], $0x80, v4, vm0, $0xb8;
	[tilespmem:$0x14600] =	vst v63  }
0x180: {  	s17 =	simm.s32 $0xA600  }
0x181: {  	[tilespmem:s17], [sflag:$0x2] =	stream.indirect_vreg.gather [hbm4b:s7+s3], $0x80, v4, vm0, $0xb8;
	[tilespmem:$0x14600] =	vst v63  }
0x182: {  	s11 =	simm.s32 $0xAE00  }
0x183: {  	[tilespmem:s11], [sflag:$0x2] =	stream.indirect_vreg.gather [hbm4b:s2+s3], $0x80, v3, vm0, $0xb8;
	[tilespmem:$0x14600] =	vst v63  }
0x184: {  	s31 =	simm.s32 $0xB600  }
0x185: {  	[tilespmem:s31], [sflag:$0x2] =	stream.indirect_vreg.gather [hbm4b:s6+s3], $0x80, v3, vm0, $0xb8;
	[tilespmem:$0x14600] =	vst v63  }
0x186: {  	s18 =	simm.s32 $0xBE00  }
0x187: {  	[tilespmem:s18], [sflag:$0x2] =	stream.indirect_vreg.gather [hbm4b:s7+s3], $0x80, v3, vm0, $0xb8;
	[tilespmem:$0x14600] =	vst v63  }
0x188: {  	_ =	swait.ge [sflag:s14], $0x6000  }
0x189: {  	[sflag:s14] =	ssyncset.done $0x0  }
0x18a: {  	s19 =	rddreg [dreg:$0xb];
	[sflag:s14] =	ssyncadd.s32 $0xFFFFA000  }
0x18b: {  	[hbm4b:s19+s3] =	stream.linear.scatter [tilespmem:s1], [sflag:$0x4], $0x6000, $0x38;
	[tilespmem:$0x14600] =	vst v63  }
0x18c: {  	_ =	swait.ge [sflag:s9], $0x6000  }
0x18d: {  	[sflag:s9] =	ssyncset.done $0x0  }
0x18e: {  	[sflag:s9] =	ssyncadd.s32 $0xFFFFA000  }
0x18f: {  	_ =	swait.ge [sflag:s15], $0x6000  }
0x190: {  	[sflag:s15] =	ssyncset.done $0x0  }
0x191: {  	s20 =	rddreg [dreg:$0xc];
	[sflag:s15] =	ssyncadd.s32 $0xFFFFA000  }
0x192: {  	[hbm4b:s20+s3] =	stream.linear.scatter [tilespmem:s25], [sflag:$0x4], $0x6000, $0x38;
	[tilespmem:$0x14600] =	vst v63  }
0x193: {  	_ =	swait.ge [sflag:s9], $0x6000  }
0x194: {  	[sflag:s9] =	ssyncset.done $0x0  }
0x195: {  	[sflag:s9] =	ssyncadd.s32 $0xFFFFA000  }
0x196: {  	_ =	swait.ge [sflag:s16], $0x2000  }
0x197: {  	[sflag:s16] =	ssyncset.done $0x0  }
0x198: {  	[sflag:s16] =	ssyncadd.s32 $0xFFFFE000  }
0x199: {  	_ =	swait.ge [sflag:s16], $0x2000  }
0x19a: {  	[sflag:s16] =	ssyncset.done $0x0  }
0x19b: {  	[sflag:s16] =	ssyncadd.s32 $0xFFFFE000  }
0x19c: {  	_ =	swait.ge [sflag:s16], $0x2000  }
0x19d: {  	[sflag:s16] =	ssyncset.done $0x0  }
0x19e: {  	[sflag:s16] =	ssyncadd.s32 $0xFFFFE000  }
0x19f: {  	_ =	swait.ge [sflag:s16], $0x2000  }
0x1a0: {  	p0 =	sne.s32 s8, $0x1;
	s31 =	simm.s32 $0xC600;
	[sflag:s16] =	ssyncset.done $0x0  }
.Ltmp0:
0x1a1: {  	s21 =	rddreg [dreg:$0xd];
	[sflag:s16] =	ssyncadd.s32 $0xFFFFE000;
	(pc) =	sbr.rel @p0 .LBB2_1-.Ltmp0, $4  }
0x1a2: {  	[hbm4b:s21+s3] =	stream.linear.scatter [tilespmem:s31], [sflag:$0x4], $0x8000, $0x38;
	[tilespmem:$0x14600] =	vst v63  }
0x1a3: {  	_ =	swait.ge [sflag:s9], $0x8000  }
0x1a4: {  	[sflag:s9] =	ssyncset.done $0x0  }
0x1a5: {  	s8 =	sadd.s32 $0xFFFFFFFF, s8;
	[sflag:s9] =	ssyncadd.s32 $0xFFFF8000  }
0x1a6: {  	_ =	sfence.sel $0x180000  }
0x1a7: {  	[bflag:$0x0] =	sbarrier.arrive $0xFFFF  }
0x1a8: {  	_ =	strace $0x90000047  }
0x1a9: {  	s0 =	stileid.u32;
	[bflag:$0x2] =	sbarrier.arrive $0xFFFF  }
0x1aa: {  	p0 =	sne.s32 s0, $0x0;
	s0 =	rddreg [dreg:$0x3]  }
0x1ab: {  	s0 =	sadd.s32 @!p0 $0x100000, s0  }
0x1ac: {  	[sflag:s0] =	ssyncadd.tile.s32 @!p0 $0x1;
	_ =	shalt  }
.Lfunc_end2:
_tile_overlayer_lowered:
.L_overlay_start_2:
0x1ad: {  	(tag) =	ssettag $0x2  }
0x1ae: {  	s0 =	rddreg [dreg:$0x0];
	s2 =	stileid.u32  }
0x1af: {  	s1 =	rddreg [dreg:$0x1];
	p0 =	sne.s32 s2, $0x0  }
0x1b0: {  	s3 =	rddreg [dreg:$0x2];
	[bflag:$0x3] =	sbarrier.arrive $0xFFFF;
	s2 =	simm.s32 @!p0 $0x1C04  }
0x1b1: {  	[timem:s3], [sflag:s2] =	dma.local @!p0 [hbm:s0], s1  }
0x1b2: {  	s0 =	simm.s32 @!p0 $0x4  }
0x1b3: {  	_ =	swait.ge @!p0 [sflag:s0], s1  }
0x1b4: {  	s1 =	ssub.s32 @!p0 $0x0, s1;
	[sflag:s0] =	ssyncset.done @!p0 $0x0  }
0x1b5: {  	[sflag:s0] =	ssyncadd.s32 @!p0 s1  }
0x1b6: {  	[bflag:$0x3] =	sbarrier.arrive $0xFFFF  }
0x1b7: {  	_ =	shalt  }

</sc_bundles>
